<compile_context>
chip_gen: v7x
topology: tpu7x:2x2x1
jax: 0.10.2.dev20260603
libtpu: 0.0.44.dev20260713+nightly
codegen_flags: <defaults>
</compile_context>

<pallas_src>
import functools

import jax
import jax.numpy as jnp
from jax import lax
from jax.experimental import pallas as pl
from jax.experimental.pallas import tpu as pltpu
from jax.experimental.pallas import tpu_sc as plsc

_BATCH = 4096
_HIST = 200
_DIM = 32
_PAD = 0
_L = 16

_B = _BATCH * _HIST
_NW = 32
_IDX_W = 128
_ROWS_PW = _B // _NW
_DMAS_PW = _ROWS_PW // _IDX_W
_CHUNK_ROWS = 1600
_NCHUNK = _ROWS_PW // _CHUNK_ROWS
_BLKS = _CHUNK_ROWS // _L


def _embed_body(x_hbm, table_hbm, out_hbm, idx_v, rows0_v, rows1_v, flag_v,
                gsem, osem):
    nc = 2
    wid = lax.axis_index("s") * nc + lax.axis_index("c")
    dma_base = wid * _DMAS_PW
    row_base = wid * _ROWS_PW

    bufs = (rows0_v, rows1_v)

    pltpu.sync_copy(x_hbm.at[pl.ds(dma_base, _DMAS_PW)], idx_v)

    zeros16 = jnp.zeros((_L,), jnp.float32)

    def load_idx16(g, i):
        t = g * _BLKS + i
        jr = t // (_IDX_W // _L)
        c0 = (t % (_IDX_W // _L)) * _L
        return idx_v[jr, pl.ds(c0, _L)]

    def start_gathers(g, b):
        def issue(i, carry):
            idx16 = load_idx16(g, i)
            pltpu.make_async_copy(
                table_hbm.at[idx16],
                bufs[b].at[pl.ds(i * _L, _L)],
                gsem.at[b],
            ).start()
            return carry

        lax.fori_loop(0, _BLKS, issue, 0)

    def wait_gathers(b):
        pltpu.make_async_copy(
            table_hbm.at[pl.ds(0, _CHUNK_ROWS)], bufs[b], gsem.at[b]
        ).wait()

    def out_copy(g, b):
        return pltpu.make_async_copy(
            bufs[b],
            out_hbm.at[pl.ds(row_base + g * _CHUNK_ROWS, _CHUNK_ROWS)],
            osem.at[b],
        )

    def process(g, b):
        def det(i, acc):
            return acc | jnp.where(load_idx16(g, i) == _PAD, 1, 0)

        acc = lax.fori_loop(0, _BLKS, det, jnp.zeros((_L,), jnp.int32))
        flag_v[pl.ds(_L, _L)] = jnp.zeros((_L,), jnp.int32)
        flag_v[pl.ds(0, _L)] = acc
        for sh in (8, 4, 2, 1):
            red = flag_v[pl.ds(0, _L)] | flag_v[pl.ds(sh, _L)]
            flag_v[pl.ds(0, _L)] = red
        has_pad = flag_v[pl.ds(0, _L)][0] > 0

        wait_gathers(b)

        @pl.when(has_pad)
        def _fixup():
            def blk(i, bcarry):
                idx16 = load_idx16(g, i)
                for r in range(_L):
                    @pl.when(idx16[r] == _PAD)
                    def _zero_row(r=r):
                        row = i * _L + r
                        bufs[b][row, pl.ds(0, _L)] = zeros16
                        bufs[b][row, pl.ds(_L, _L)] = zeros16

                return bcarry

            lax.fori_loop(0, _BLKS, blk, 0)

        out_copy(g, b).start()

    start_gathers(0, 0)

    def outer(g2, carry):
        g = 2 * g2

        @pl.when(g2 > 0)
        def _reuse0():
            out_copy(g - 1, 1).wait()

        start_gathers(g + 1, 1)
        process(g, 0)

        out_copy(g, 0).wait()

        @pl.when(g2 < _NCHUNK // 2 - 1)
        def _next():
            start_gathers(g + 2, 0)

        process(g + 1, 1)
        return carry

    lax.fori_loop(0, _NCHUNK // 2, outer, 0)

    out_copy(_NCHUNK - 1, 1).wait()


@functools.partial(
    pl.kernel,
    out_type=jax.ShapeDtypeStruct((_B, _DIM), jnp.float32),
    mesh=plsc.VectorSubcoreMesh(core_axis_name="c", subcore_axis_name="s"),
    compiler_params=pltpu.CompilerParams(use_tc_tiling_on_sc=False),
    scratch_types=[
        pltpu.VMEM((_DMAS_PW, _IDX_W), jnp.int32),
        pltpu.VMEM((_CHUNK_ROWS, _DIM), jnp.float32),
        pltpu.VMEM((_CHUNK_ROWS, _DIM), jnp.float32),
        pltpu.VMEM((2 * _L,), jnp.int32),
        pltpu.SemaphoreType.DMA((2,)),
        pltpu.SemaphoreType.DMA((2,)),
    ],
)
def _embed(x_hbm, table_hbm, out_hbm, idx_v, rows0_v, rows1_v, flag_v,
           gsem, osem):
    _embed_body(x_hbm, table_hbm, out_hbm, idx_v, rows0_v, rows1_v, flag_v,
                gsem, osem)


def kernel(x, table):
    out = _embed(x.reshape(_B // _IDX_W, _IDX_W), table)
    return out.reshape(_BATCH, _HIST, _DIM)

# --- scband reference (transcript-rebuilt; emitter-appended) ---
"""Pipeline reference for scband-word-embedding-42004780155374 (READ-ONLY COPY).

The authoritative reference and input builder live on the scoring server;
editing this copy changes nothing except your own understanding.
"""

import jax, jax.numpy as jnp
import numpy as np

VOCAB = 1000000
DIM = 32
PAD = 0
BATCH = 4096
HIST = 200


def setup_inputs(seed: int = 0) -> dict:
    key = jax.random.key(seed)
    k1, k2 = jax.random.split(key)
    x = jax.random.randint(k1, (BATCH, HIST), 0, VOCAB, dtype=jnp.int32)
    table = jax.random.normal(k2, (VOCAB, DIM), dtype=jnp.float32)
    return {"x": x, "table": table}


def reference(x, table):
    # nn.Embedding with padding_idx: the padding row is zeroed
    t = table.at[PAD].set(0.0)
    return jnp.take(t, x, axis=0)

if __name__ == "__main__":
    import jax
    _d = setup_inputs()
    print(jax.jit(kernel)(*tuple(_d.values())))

</pallas_src>

<mosaic_0001>
#map = affine_map<(d0, d1) -> (0, 0)>
module attributes {stable_mosaic.version = 14 : i64} {
  func.func @_embed(%arg0: i32, %arg1: i32, %arg2: memref<6400x128xi32, #tpu.memory_space<hbm>>, %arg3: memref<1000000x32xf32, #tpu.memory_space<hbm>>, %arg4: memref<819200x32xf32, #tpu.memory_space<hbm>>, %arg5: memref<200x128xi32, #tpu.memory_space<vmem>>, %arg6: memref<1600x32xf32, #tpu.memory_space<vmem>>, %arg7: memref<1600x32xf32, #tpu.memory_space<vmem>>, %arg8: memref<32xi32, #tpu.memory_space<vmem>>, %arg9: memref<2x!tpu.dma_semaphore, #tpu.memory_space<semaphore_mem>>, %arg10: memref<2x!tpu.dma_semaphore, #tpu.memory_space<semaphore_mem>>) attributes {dimension_semantics = [#tpu.dimension_semantics<core_parallel>, #tpu.dimension_semantics<subcore_parallel>], iteration_bounds = array<i64: 2, 16>, scalar_prefetch = 0 : i64, scratch_operands = 6 : i64, tpu.core_type = #tpu.core_type<sc_vector_subcore>, window_params = [{transform_indices = #map}, {transform_indices = #map}, {transform_indices = #map}]} {
    %mul3A = arith.constant 2 : i32
    %mul3A_0 = arith.muli %arg1, %mul3A : i32
    %add3A = arith.addi %mul3A_0, %arg0 : i32
    %mul3A_1 = arith.constant 200 : i32
    %mul3A_2 = arith.muli %add3A, %mul3A_1 : i32
    %mul3A_3 = arith.constant 25600 : i32
    %mul3A_4 = arith.muli %add3A, %mul3A_3 : i32
    "tpu.region"() ({
      %run_scoped3A = tpu.sem_alloc : memref<!tpu.dma_semaphore, #tpu.memory_space<semaphore_mem>>
      %dma_start3A = arith.constant 0 : i32
      %dma_start3A_25 = tpu.memref_slice %arg2[%mul3A_2, %dma_start3A] : memref<6400x128xi32, #tpu.memory_space<hbm>> -> memref<200x128xi32, #tpu.memory_space<hbm>>
      %dma_start3A_26 = arith.constant 0 : i32
      %dma_start3A_27 = tpu.memref_slice %arg2[%mul3A_2, %dma_start3A_26] : memref<6400x128xi32, #tpu.memory_space<hbm>> -> memref<200x128xi32, #tpu.memory_space<hbm>>
      tpu.enqueue_dma source(%dma_start3A_27 : memref<200x128xi32, #tpu.memory_space<hbm>>) target(%arg5 : memref<200x128xi32, #tpu.memory_space<vmem>>) target_semaphore(%run_scoped3A : memref<!tpu.dma_semaphore, #tpu.memory_space<semaphore_mem>>)
      %dma_wait3A_28 = arith.constant 0 : i32
      %dma_wait3A_29 = tpu.memref_slice %arg2[%mul3A_2, %dma_wait3A_28] : memref<6400x128xi32, #tpu.memory_space<hbm>> -> memref<200x128xi32, #tpu.memory_space<hbm>>
      %dma_wait3A_30 = arith.constant 0 : i32
      %dma_wait3A_31 = tpu.memref_slice %arg2[%mul3A_2, %dma_wait3A_30] : memref<6400x128xi32, #tpu.memory_space<hbm>> -> memref<200x128xi32, #tpu.memory_space<hbm>>
      tpu.wait_dma2 semaphore(%run_scoped3A : memref<!tpu.dma_semaphore, #tpu.memory_space<semaphore_mem>>) src(%dma_wait3A_31 : memref<200x128xi32, #tpu.memory_space<hbm>>) dst(%arg5 : memref<200x128xi32, #tpu.memory_space<vmem>>)
      tpu.yield
    }) : () -> ()
    %broadcast_in_dim3A = arith.constant 0.000000e+00 : f32
    %broadcast_in_dim3A_5 = vector.broadcast %broadcast_in_dim3A : f32 to vector<16xf32>
    %scan3A = arith.constant 0 : i32
    %scan3A_6 = arith.constant 0 : i32
    %scan3A_7 = arith.constant 100 : i32
    %scan3A_8 = arith.addi %scan3A_6, %scan3A_7 : i32
    %scan3A_9 = arith.constant 1 : i32
    scf.for %scan3A_25 = %scan3A_6 to %scan3A_8 step %scan3A_9  : i32 {
      %add3A_26 = arith.constant 0 : i32
      %add3A_27 = arith.addi %add3A_26, %scan3A_25 : i32
      %jit3A = arith.constant 8 : i32
      %div3A = arith.divsi %add3A_27, %jit3A : i32
      %sign3A = arith.constant 0 : i32
      %sign3A_28 = arith.cmpi sgt, %add3A_27, %sign3A : i32
      %sign3A_29 = arith.extui %sign3A_28 : i1 to i32
      %sign3A_30 = arith.constant 0 : i32
      %sign3A_31 = arith.cmpi slt, %add3A_27, %sign3A_30 : i32
      %sign3A_32 = arith.extui %sign3A_31 : i1 to i32
      %sign3A_33 = arith.subi %sign3A_29, %sign3A_32 : i32
      %sign3A_34 = arith.constant 0 : i32
      %sign3A_35 = arith.cmpi sgt, %jit3A, %sign3A_34 : i32
      %sign3A_36 = arith.extui %sign3A_35 : i1 to i32
      %sign3A_37 = arith.constant 0 : i32
      %sign3A_38 = arith.cmpi slt, %jit3A, %sign3A_37 : i32
      %sign3A_39 = arith.extui %sign3A_38 : i1 to i32
      %sign3A_40 = arith.subi %sign3A_36, %sign3A_39 : i32
      %ne3A = arith.cmpi ne, %sign3A_33, %sign3A_40 : i32
      %rem3A = arith.remsi %add3A_27, %jit3A : i32
      %ne3A_41 = arith.constant 0 : i32
      %ne3A_42 = arith.cmpi ne, %rem3A, %ne3A_41 : i32
      %and3A = arith.andi %ne3A, %ne3A_42 : i1
      %sub3A = arith.constant 1 : i32
      %sub3A_43 = arith.subi %div3A, %sub3A : i32
      %select_n3A = arith.select %and3A, %sub3A_43, %div3A : i32
      %jit3A_44 = arith.constant 8 : i32
      %eq3A = arith.constant 0 : i32
      %eq3A_45 = arith.cmpi eq, %jit3A_44, %eq3A : i32
      %jit3A_46 = arith.constant 1 : i32
      %select_n3A_47 = arith.select %eq3A_45, %jit3A_46, %jit3A_44 : i32
      %rem3A_48 = arith.remsi %add3A_27, %select_n3A_47 : i32
      %ne3A_49 = arith.constant 0 : i32
      %ne3A_50 = arith.cmpi ne, %rem3A_48, %ne3A_49 : i32
      %lt3A = arith.constant 0 : i32
      %lt3A_51 = arith.cmpi slt, %rem3A_48, %lt3A : i32
      %lt3A_52 = arith.constant 0 : i32
      %lt3A_53 = arith.cmpi slt, %select_n3A_47, %lt3A_52 : i32
      %ne3A_54 = arith.xori %lt3A_51, %lt3A_53 : i1
      %and3A_55 = arith.andi %ne3A_54, %ne3A_50 : i1
      %add3A_56 = arith.addi %rem3A_48, %select_n3A_47 : i32
      %select_n3A_57 = arith.select %and3A_55, %add3A_56, %rem3A_48 : i32
      %mul3A_58 = arith.constant 16 : i32
      %mul3A_59 = arith.muli %select_n3A_57, %mul3A_58 : i32
      %get3A = arith.index_cast %select_n3A : i32 to index
      %get3A_60 = arith.index_cast %mul3A_59 : i32 to index
      %get3A_61 = tpu.vector_load %arg5[%get3A, %get3A_60] {strides = array<i32>} : memref<200x128xi32, #tpu.memory_space<vmem>>, vector<1x16xi32>,
      %get3A_62 = vector.shape_cast %get3A_61 : vector<1x16xi32> to vector<16xi32>
      %mul3A_63 = arith.constant 16 : i32
      %mul3A_64 = arith.muli %scan3A_25, %mul3A_63 : i32
      %dma_start3A = arith.constant 0 : i32
      %dma_start3A_65 = arith.constant 0 : i32
      %dma_start3A_66 = tpu.memref_slice %arg6[%mul3A_64, %dma_start3A_65] : memref<1600x32xf32, #tpu.memory_space<vmem>> -> memref<16x32xf32, #tpu.memory_space<vmem>>
      %dma_start3A_67 = arith.constant 0 : i32
      %dma_start3A_68 = arith.constant 0 : i32
      %dma_start3A_69 = tpu.memref_slice %arg3[%dma_start3A_67, %dma_start3A_68] : memref<1000000x32xf32, #tpu.memory_space<hbm>> -> memref<1000000x32xf32, #tpu.memory_space<hbm>>
      %dma_start3A_70 = tpu.memref_slice %arg9[%dma_start3A] : memref<2x!tpu.dma_semaphore, #tpu.memory_space<semaphore_mem>> -> memref<1x!tpu.dma_semaphore, #tpu.memory_space<semaphore_mem>>
      %dma_start3A_71 = tpu.memref_squeeze %dma_start3A_70 : memref<1x!tpu.dma_semaphore, #tpu.memory_space<semaphore_mem>> -> memref<!tpu.dma_semaphore, #tpu.memory_space<semaphore_mem>>
      tpu.enqueue_indirect_dma source(%dma_start3A_69 : memref<1000000x32xf32, #tpu.memory_space<hbm>>) target(%dma_start3A_66 : memref<16x32xf32, #tpu.memory_space<vmem>>) offsets(%get3A_62 : vector<16xi32>) semaphore(%dma_start3A_71 : memref<!tpu.dma_semaphore, #tpu.memory_space<semaphore_mem>>)
    }
    %scan3A_10 = arith.constant 100 : i32
    %scan3A_11 = arith.constant 0 : i32
    %scan3A_12 = arith.constant 0 : i32
    %scan3A_13 = arith.constant 8 : i32
    %scan3A_14 = arith.addi %scan3A_12, %scan3A_13 : i32
    %scan3A_15 = arith.constant 1 : i32
    scf.for %scan3A_25 = %scan3A_12 to %scan3A_14 step %scan3A_15  : i32 {
      %mul3A_26 = arith.constant 2 : i32
      %mul3A_27 = arith.muli %mul3A_26, %scan3A_25 : i32
      %gt3A = arith.constant 0 : i32
      %gt3A_28 = arith.cmpi sgt, %scan3A_25, %gt3A : i32
      %convert_element_type3A = arith.extui %gt3A_28 : i1 to i32
      %cond3A = arith.constant 0 : i32
      %cond3A_29 = arith.cmpi ne, %convert_element_type3A, %cond3A : i32
      scf.if %cond3A_29 {
        %sub3A = arith.constant 1 : i32
        %sub3A_230 = arith.subi %mul3A_27, %sub3A : i32
        %mul3A_231 = arith.constant 1600 : i32
        %mul3A_232 = arith.muli %sub3A_230, %mul3A_231 : i32
        %add3A_233 = arith.addi %mul3A_4, %mul3A_232 : i32
        %dma_wait3A_234 = arith.constant 1 : i32
        %dma_wait3A_235 = arith.constant 0 : i32
        %dma_wait3A_236 = tpu.memref_slice %arg4[%add3A_233, %dma_wait3A_235] : memref<819200x32xf32, #tpu.memory_space<hbm>> -> memref<1600x32xf32, #tpu.memory_space<hbm>>
        %dma_wait3A_237 = tpu.memref_slice %arg10[%dma_wait3A_234] : memref<2x!tpu.dma_semaphore, #tpu.memory_space<semaphore_mem>> -> memref<1x!tpu.dma_semaphore, #tpu.memory_space<semaphore_mem>>
        %dma_wait3A_238 = tpu.memref_squeeze %dma_wait3A_237 : memref<1x!tpu.dma_semaphore, #tpu.memory_space<semaphore_mem>> -> memref<!tpu.dma_semaphore, #tpu.memory_space<semaphore_mem>>
        %dma_wait3A_239 = arith.constant 0 : i32
        %dma_wait3A_240 = tpu.memref_slice %arg4[%add3A_233, %dma_wait3A_239] : memref<819200x32xf32, #tpu.memory_space<hbm>> -> memref<1600x32xf32, #tpu.memory_space<hbm>>
        tpu.wait_dma2 semaphore(%dma_wait3A_238 : memref<!tpu.dma_semaphore, #tpu.memory_space<semaphore_mem>>) src(%arg7 : memref<1600x32xf32, #tpu.memory_space<vmem>>) dst(%dma_wait3A_240 : memref<1600x32xf32, #tpu.memory_space<hbm>>)
      } else {
      }
      %add3A_30 = arith.constant 1 : i32
      %add3A_31 = arith.addi %mul3A_27, %add3A_30 : i32
      %scan3A_32 = arith.constant 0 : i32
      %scan3A_33 = arith.constant 0 : i32
      %scan3A_34 = arith.constant 100 : i32
      %scan3A_35 = arith.addi %scan3A_33, %scan3A_34 : i32
      %scan3A_36 = arith.constant 1 : i32
      scf.for %scan3A_230 = %scan3A_33 to %scan3A_35 step %scan3A_36  : i32 {
        %mul3A_231 = arith.constant 100 : i32
        %mul3A_232 = arith.muli %add3A_31, %mul3A_231 : i32
        %add3A_233 = arith.addi %mul3A_232, %scan3A_230 : i32
        %jit3A = arith.constant 8 : i32
        %div3A = arith.divsi %add3A_233, %jit3A : i32
        %sign3A = arith.constant 0 : i32
        %sign3A_234 = arith.cmpi sgt, %add3A_233, %sign3A : i32
        %sign3A_235 = arith.extui %sign3A_234 : i1 to i32
        %sign3A_236 = arith.constant 0 : i32
        %sign3A_237 = arith.cmpi slt, %add3A_233, %sign3A_236 : i32
        %sign3A_238 = arith.extui %sign3A_237 : i1 to i32
        %sign3A_239 = arith.subi %sign3A_235, %sign3A_238 : i32
        %sign3A_240 = arith.constant 0 : i32
        %sign3A_241 = arith.cmpi sgt, %jit3A, %sign3A_240 : i32
        %sign3A_242 = arith.extui %sign3A_241 : i1 to i32
        %sign3A_243 = arith.constant 0 : i32
        %sign3A_244 = arith.cmpi slt, %jit3A, %sign3A_243 : i32
        %sign3A_245 = arith.extui %sign3A_244 : i1 to i32
        %sign3A_246 = arith.subi %sign3A_242, %sign3A_245 : i32
        %ne3A = arith.cmpi ne, %sign3A_239, %sign3A_246 : i32
        %rem3A = arith.remsi %add3A_233, %jit3A : i32
        %ne3A_247 = arith.constant 0 : i32
        %ne3A_248 = arith.cmpi ne, %rem3A, %ne3A_247 : i32
        %and3A = arith.andi %ne3A, %ne3A_248 : i1
        %sub3A = arith.constant 1 : i32
        %sub3A_249 = arith.subi %div3A, %sub3A : i32
        %select_n3A = arith.select %and3A, %sub3A_249, %div3A : i32
        %jit3A_250 = arith.constant 8 : i32
        %eq3A = arith.constant 0 : i32
        %eq3A_251 = arith.cmpi eq, %jit3A_250, %eq3A : i32
        %jit3A_252 = arith.constant 1 : i32
        %select_n3A_253 = arith.select %eq3A_251, %jit3A_252, %jit3A_250 : i32
        %rem3A_254 = arith.remsi %add3A_233, %select_n3A_253 : i32
        %ne3A_255 = arith.constant 0 : i32
        %ne3A_256 = arith.cmpi ne, %rem3A_254, %ne3A_255 : i32
        %lt3A_257 = arith.constant 0 : i32
        %lt3A_258 = arith.cmpi slt, %rem3A_254, %lt3A_257 : i32
        %lt3A_259 = arith.constant 0 : i32
        %lt3A_260 = arith.cmpi slt, %select_n3A_253, %lt3A_259 : i32
        %ne3A_261 = arith.xori %lt3A_258, %lt3A_260 : i1
        %and3A_262 = arith.andi %ne3A_261, %ne3A_256 : i1
        %add3A_263 = arith.addi %rem3A_254, %select_n3A_253 : i32
        %select_n3A_264 = arith.select %and3A_262, %add3A_263, %rem3A_254 : i32
        %mul3A_265 = arith.constant 16 : i32
        %mul3A_266 = arith.muli %select_n3A_264, %mul3A_265 : i32
        %get3A_267 = arith.index_cast %select_n3A : i32 to index
        %get3A_268 = arith.index_cast %mul3A_266 : i32 to index
        %get3A_269 = tpu.vector_load %arg5[%get3A_267, %get3A_268] {strides = array<i32>} : memref<200x128xi32, #tpu.memory_space<vmem>>, vector<1x16xi32>,
        %get3A_270 = vector.shape_cast %get3A_269 : vector<1x16xi32> to vector<16xi32>
        %mul3A_271 = arith.constant 16 : i32
        %mul3A_272 = arith.muli %scan3A_230, %mul3A_271 : i32
        %dma_start3A_273 = arith.constant 1 : i32
        %dma_start3A_274 = arith.constant 0 : i32
        %dma_start3A_275 = tpu.memref_slice %arg7[%mul3A_272, %dma_start3A_274] : memref<1600x32xf32, #tpu.memory_space<vmem>> -> memref<16x32xf32, #tpu.memory_space<vmem>>
        %dma_start3A_276 = arith.constant 0 : i32
        %dma_start3A_277 = arith.constant 0 : i32
        %dma_start3A_278 = tpu.memref_slice %arg3[%dma_start3A_276, %dma_start3A_277] : memref<1000000x32xf32, #tpu.memory_space<hbm>> -> memref<1000000x32xf32, #tpu.memory_space<hbm>>
        %dma_start3A_279 = tpu.memref_slice %arg9[%dma_start3A_273] : memref<2x!tpu.dma_semaphore, #tpu.memory_space<semaphore_mem>> -> memref<1x!tpu.dma_semaphore, #tpu.memory_space<semaphore_mem>>
        %dma_start3A_280 = tpu.memref_squeeze %dma_start3A_279 : memref<1x!tpu.dma_semaphore, #tpu.memory_space<semaphore_mem>> -> memref<!tpu.dma_semaphore, #tpu.memory_space<semaphore_mem>>
        tpu.enqueue_indirect_dma source(%dma_start3A_278 : memref<1000000x32xf32, #tpu.memory_space<hbm>>) target(%dma_start3A_275 : memref<16x32xf32, #tpu.memory_space<vmem>>) offsets(%get3A_270 : vector<16xi32>) semaphore(%dma_start3A_280 : memref<!tpu.dma_semaphore, #tpu.memory_space<semaphore_mem>>)
      }
      %scan3A_37 = arith.constant 100 : i32
      %broadcast_in_dim3A_38 = arith.constant 0 : i32
      %broadcast_in_dim3A_39 = vector.broadcast %broadcast_in_dim3A_38 : i32 to vector<16xi32>
      %scan3A_40 = arith.constant 0 : i32
      %scan3A_41 = arith.constant 100 : i32
      %scan3A_42 = arith.addi %scan3A_40, %scan3A_41 : i32
      %scan3A_43 = arith.constant 1 : i32
      %scan3A_44 = scf.for %scan3A_230 = %scan3A_40 to %scan3A_42 step %scan3A_43 iter_args(%scan3A_231 = %broadcast_in_dim3A_39) -> (vector<16xi32>)  : i32 {
        %mul3A_232 = arith.constant 100 : i32
        %mul3A_233 = arith.muli %mul3A_27, %mul3A_232 : i32
        %add3A_234 = arith.addi %mul3A_233, %scan3A_230 : i32
        %jit3A = arith.constant 8 : i32
        %div3A = arith.divsi %add3A_234, %jit3A : i32
        %sign3A = arith.constant 0 : i32
        %sign3A_235 = arith.cmpi sgt, %add3A_234, %sign3A : i32
        %sign3A_236 = arith.extui %sign3A_235 : i1 to i32
        %sign3A_237 = arith.constant 0 : i32
        %sign3A_238 = arith.cmpi slt, %add3A_234, %sign3A_237 : i32
        %sign3A_239 = arith.extui %sign3A_238 : i1 to i32
        %sign3A_240 = arith.subi %sign3A_236, %sign3A_239 : i32
        %sign3A_241 = arith.constant 0 : i32
        %sign3A_242 = arith.cmpi sgt, %jit3A, %sign3A_241 : i32
        %sign3A_243 = arith.extui %sign3A_242 : i1 to i32
        %sign3A_244 = arith.constant 0 : i32
        %sign3A_245 = arith.cmpi slt, %jit3A, %sign3A_244 : i32
        %sign3A_246 = arith.extui %sign3A_245 : i1 to i32
        %sign3A_247 = arith.subi %sign3A_243, %sign3A_246 : i32
        %ne3A = arith.cmpi ne, %sign3A_240, %sign3A_247 : i32
        %rem3A = arith.remsi %add3A_234, %jit3A : i32
        %ne3A_248 = arith.constant 0 : i32
        %ne3A_249 = arith.cmpi ne, %rem3A, %ne3A_248 : i32
        %and3A = arith.andi %ne3A, %ne3A_249 : i1
        %sub3A = arith.constant 1 : i32
        %sub3A_250 = arith.subi %div3A, %sub3A : i32
        %select_n3A = arith.select %and3A, %sub3A_250, %div3A : i32
        %jit3A_251 = arith.constant 8 : i32
        %eq3A = arith.constant 0 : i32
        %eq3A_252 = arith.cmpi eq, %jit3A_251, %eq3A : i32
        %jit3A_253 = arith.constant 1 : i32
        %select_n3A_254 = arith.select %eq3A_252, %jit3A_253, %jit3A_251 : i32
        %rem3A_255 = arith.remsi %add3A_234, %select_n3A_254 : i32
        %ne3A_256 = arith.constant 0 : i32
        %ne3A_257 = arith.cmpi ne, %rem3A_255, %ne3A_256 : i32
        %lt3A_258 = arith.constant 0 : i32
        %lt3A_259 = arith.cmpi slt, %rem3A_255, %lt3A_258 : i32
        %lt3A_260 = arith.constant 0 : i32
        %lt3A_261 = arith.cmpi slt, %select_n3A_254, %lt3A_260 : i32
        %ne3A_262 = arith.xori %lt3A_259, %lt3A_261 : i1
        %and3A_263 = arith.andi %ne3A_262, %ne3A_257 : i1
        %add3A_264 = arith.addi %rem3A_255, %select_n3A_254 : i32
        %select_n3A_265 = arith.select %and3A_263, %add3A_264, %rem3A_255 : i32
        %mul3A_266 = arith.constant 16 : i32
        %mul3A_267 = arith.muli %select_n3A_265, %mul3A_266 : i32
        %get3A_268 = arith.index_cast %select_n3A : i32 to index
        %get3A_269 = arith.index_cast %mul3A_267 : i32 to index
        %get3A_270 = tpu.vector_load %arg5[%get3A_268, %get3A_269] {strides = array<i32>} : memref<200x128xi32, #tpu.memory_space<vmem>>, vector<1x16xi32>,
        %get3A_271 = vector.shape_cast %get3A_270 : vector<1x16xi32> to vector<16xi32>
        %eq3A_272 = arith.constant 0 : i32
        %eq3A_273 = vector.broadcast %eq3A_272 : i32 to vector<16xi32>
        %eq3A_274 = arith.cmpi eq, %get3A_271, %eq3A_273 : vector<16xi32>
        %jit3A_275 = arith.constant 1 : i32
        %jit3A_276 = arith.constant 0 : i32
        %broadcast_in_dim3A_277 = vector.broadcast %jit3A_275 : i32 to vector<16xi32>
        %broadcast_in_dim3A_278 = vector.broadcast %jit3A_276 : i32 to vector<16xi32>
        %select_n3A_279 = arith.select %eq3A_274, %broadcast_in_dim3A_277, %broadcast_in_dim3A_278 : vector<16xi1>, vector<16xi32>
        %or3A_280 = arith.ori %scan3A_231, %select_n3A_279 : vector<16xi32>
        scf.yield %or3A_280 : vector<16xi32>
      }
      %scan3A_45 = arith.constant 100 : i32
      %broadcast_in_dim3A_46 = arith.constant 0 : i32
      %broadcast_in_dim3A_47 = vector.broadcast %broadcast_in_dim3A_46 : i32 to vector<16xi32>
      %swap3A = arith.constant 16 : index
      %swap3A_48 = tpu.vector_load %arg8[%swap3A] {strides = array<i32>} : memref<32xi32, #tpu.memory_space<vmem>>, vector<16xi32>,
      %swap3A_49 = vector.shape_cast %swap3A_48 : vector<16xi32> to vector<16xi32>
      %swap3A_50 = vector.shape_cast %broadcast_in_dim3A_47 : vector<16xi32> to vector<16xi32>
      tpu.vector_store %arg8[%swap3A], %swap3A_50 {strides = array<i32>} : memref<32xi32, #tpu.memory_space<vmem>>, vector<16xi32>,
      %swap3A_51 = arith.constant 0 : index
      %swap3A_52 = tpu.vector_load %arg8[%swap3A_51] {strides = array<i32>} : memref<32xi32, #tpu.memory_space<vmem>>, vector<16xi32>,
      %swap3A_53 = vector.shape_cast %swap3A_52 : vector<16xi32> to vector<16xi32>
      %swap3A_54 = vector.shape_cast %scan3A_44 : vector<16xi32> to vector<16xi32>
      tpu.vector_store %arg8[%swap3A_51], %swap3A_54 {strides = array<i32>} : memref<32xi32, #tpu.memory_space<vmem>>, vector<16xi32>,
      %get3A = arith.constant 0 : index
      %get3A_55 = tpu.vector_load %arg8[%get3A] {strides = array<i32>} : memref<32xi32, #tpu.memory_space<vmem>>, vector<16xi32>,
      %get3A_56 = vector.shape_cast %get3A_55 : vector<16xi32> to vector<16xi32>
      %get3A_57 = arith.constant 8 : index
      %get3A_58 = tpu.vector_load %arg8[%get3A_57] {strides = array<i32>} : memref<32xi32, #tpu.memory_space<vmem>>, vector<16xi32>,
      %get3A_59 = vector.shape_cast %get3A_58 : vector<16xi32> to vector<16xi32>
      %or3A = arith.ori %get3A_56, %get3A_59 : vector<16xi32>
      %swap3A_60 = arith.constant 0 : index
      %swap3A_61 = tpu.vector_load %arg8[%swap3A_60] {strides = array<i32>} : memref<32xi32, #tpu.memory_space<vmem>>, vector<16xi32>,
      %swap3A_62 = vector.shape_cast %swap3A_61 : vector<16xi32> to vector<16xi32>
      %swap3A_63 = vector.shape_cast %or3A : vector<16xi32> to vector<16xi32>
      tpu.vector_store %arg8[%swap3A_60], %swap3A_63 {strides = array<i32>} : memref<32xi32, #tpu.memory_space<vmem>>, vector<16xi32>,
      %get3A_64 = arith.constant 0 : index
      %get3A_65 = tpu.vector_load %arg8[%get3A_64] {strides = array<i32>} : memref<32xi32, #tpu.memory_space<vmem>>, vector<16xi32>,
      %get3A_66 = vector.shape_cast %get3A_65 : vector<16xi32> to vector<16xi32>
      %get3A_67 = arith.constant 4 : index
      %get3A_68 = tpu.vector_load %arg8[%get3A_67] {strides = array<i32>} : memref<32xi32, #tpu.memory_space<vmem>>, vector<16xi32>,
      %get3A_69 = vector.shape_cast %get3A_68 : vector<16xi32> to vector<16xi32>
      %or3A_70 = arith.ori %get3A_66, %get3A_69 : vector<16xi32>
      %swap3A_71 = arith.constant 0 : index
      %swap3A_72 = tpu.vector_load %arg8[%swap3A_71] {strides = array<i32>} : memref<32xi32, #tpu.memory_space<vmem>>, vector<16xi32>,
      %swap3A_73 = vector.shape_cast %swap3A_72 : vector<16xi32> to vector<16xi32>
      %swap3A_74 = vector.shape_cast %or3A_70 : vector<16xi32> to vector<16xi32>
      tpu.vector_store %arg8[%swap3A_71], %swap3A_74 {strides = array<i32>} : memref<32xi32, #tpu.memory_space<vmem>>, vector<16xi32>,
      %get3A_75 = arith.constant 0 : index
      %get3A_76 = tpu.vector_load %arg8[%get3A_75] {strides = array<i32>} : memref<32xi32, #tpu.memory_space<vmem>>, vector<16xi32>,
      %get3A_77 = vector.shape_cast %get3A_76 : vector<16xi32> to vector<16xi32>
      %get3A_78 = arith.constant 2 : index
      %get3A_79 = tpu.vector_load %arg8[%get3A_78] {strides = array<i32>} : memref<32xi32, #tpu.memory_space<vmem>>, vector<16xi32>,
      %get3A_80 = vector.shape_cast %get3A_79 : vector<16xi32> to vector<16xi32>
      %or3A_81 = arith.ori %get3A_77, %get3A_80 : vector<16xi32>
      %swap3A_82 = arith.constant 0 : index
      %swap3A_83 = tpu.vector_load %arg8[%swap3A_82] {strides = array<i32>} : memref<32xi32, #tpu.memory_space<vmem>>, vector<16xi32>,
      %swap3A_84 = vector.shape_cast %swap3A_83 : vector<16xi32> to vector<16xi32>
      %swap3A_85 = vector.shape_cast %or3A_81 : vector<16xi32> to vector<16xi32>
      tpu.vector_store %arg8[%swap3A_82], %swap3A_85 {strides = array<i32>} : memref<32xi32, #tpu.memory_space<vmem>>, vector<16xi32>,
      %get3A_86 = arith.constant 0 : index
      %get3A_87 = tpu.vector_load %arg8[%get3A_86] {strides = array<i32>} : memref<32xi32, #tpu.memory_space<vmem>>, vector<16xi32>,
      %get3A_88 = vector.shape_cast %get3A_87 : vector<16xi32> to vector<16xi32>
      %get3A_89 = arith.constant 1 : index
      %get3A_90 = tpu.vector_load %arg8[%get3A_89] {strides = array<i32>} : memref<32xi32, #tpu.memory_space<vmem>>, vector<16xi32>,
      %get3A_91 = vector.shape_cast %get3A_90 : vector<16xi32> to vector<16xi32>
      %or3A_92 = arith.ori %get3A_88, %get3A_91 : vector<16xi32>
      %swap3A_93 = arith.constant 0 : index
      %swap3A_94 = tpu.vector_load %arg8[%swap3A_93] {strides = array<i32>} : memref<32xi32, #tpu.memory_space<vmem>>, vector<16xi32>,
      %swap3A_95 = vector.shape_cast %swap3A_94 : vector<16xi32> to vector<16xi32>
      %swap3A_96 = vector.shape_cast %or3A_92 : vector<16xi32> to vector<16xi32>
      tpu.vector_store %arg8[%swap3A_93], %swap3A_96 {strides = array<i32>} : memref<32xi32, #tpu.memory_space<vmem>>, vector<16xi32>,
      %get3A_97 = arith.constant 0 : index
      %get3A_98 = tpu.vector_load %arg8[%get3A_97] {strides = array<i32>} : memref<32xi32, #tpu.memory_space<vmem>>, vector<16xi32>,
      %get3A_99 = vector.shape_cast %get3A_98 : vector<16xi32> to vector<16xi32>
      %slice3A = vector.extract_strided_slice %get3A_99 {offsets = [0], sizes = [1], strides = [1]} : vector<16xi32> to vector<1xi32>
      %squeeze3A = vector.extract %slice3A[0] : i32 from vector<1xi32>
      %gt3A_100 = arith.constant 0 : i32
      %gt3A_101 = arith.cmpi sgt, %squeeze3A, %gt3A_100 : i32
      %dma_wait3A_102 = arith.constant 0 : i32
      %dma_wait3A_103 = arith.constant 0 : i32
      %dma_wait3A_104 = arith.constant 0 : i32
      %dma_wait3A_105 = tpu.memref_slice %arg3[%dma_wait3A_103, %dma_wait3A_104] : memref<1000000x32xf32, #tpu.memory_space<hbm>> -> memref<1600x32xf32, #tpu.memory_space<hbm>>
      %dma_wait3A_106 = tpu.memref_slice %arg9[%dma_wait3A_102] : memref<2x!tpu.dma_semaphore, #tpu.memory_space<semaphore_mem>> -> memref<1x!tpu.dma_semaphore, #tpu.memory_space<semaphore_mem>>
      %dma_wait3A_107 = tpu.memref_squeeze %dma_wait3A_106 : memref<1x!tpu.dma_semaphore, #tpu.memory_space<semaphore_mem>> -> memref<!tpu.dma_semaphore, #tpu.memory_space<semaphore_mem>>
      %dma_wait3A_108 = arith.constant 0 : i32
      %dma_wait3A_109 = arith.constant 0 : i32
      %dma_wait3A_110 = tpu.memref_slice %arg3[%dma_wait3A_108, %dma_wait3A_109] : memref<1000000x32xf32, #tpu.memory_space<hbm>> -> memref<1600x32xf32, #tpu.memory_space<hbm>>
      tpu.wait_dma2 semaphore(%dma_wait3A_107 : memref<!tpu.dma_semaphore, #tpu.memory_space<semaphore_mem>>) src(%dma_wait3A_110 : memref<1600x32xf32, #tpu.memory_space<hbm>>) dst(%arg6 : memref<1600x32xf32, #tpu.memory_space<vmem>>)
      %convert_element_type3A_111 = arith.extui %gt3A_101 : i1 to i32
      %cond3A_112 = arith.constant 0 : i32
      %cond3A_113 = arith.cmpi ne, %convert_element_type3A_111, %cond3A_112 : i32
      scf.if %cond3A_113 {
        %scan3A_230 = arith.constant 0 : i32
        %scan3A_231 = arith.constant 0 : i32
        %scan3A_232 = arith.constant 100 : i32
        %scan3A_233 = arith.addi %scan3A_231, %scan3A_232 : i32
        %scan3A_234 = arith.constant 1 : i32
        scf.for %scan3A_236 = %scan3A_231 to %scan3A_233 step %scan3A_234  : i32 {
          %mul3A_237 = arith.constant 100 : i32
          %mul3A_238 = arith.muli %mul3A_27, %mul3A_237 : i32
          %add3A_239 = arith.addi %mul3A_238, %scan3A_236 : i32
          %jit3A = arith.constant 8 : i32
          %div3A = arith.divsi %add3A_239, %jit3A : i32
          %sign3A = arith.constant 0 : i32
          %sign3A_240 = arith.cmpi sgt, %add3A_239, %sign3A : i32
          %sign3A_241 = arith.extui %sign3A_240 : i1 to i32
          %sign3A_242 = arith.constant 0 : i32
          %sign3A_243 = arith.cmpi slt, %add3A_239, %sign3A_242 : i32
          %sign3A_244 = arith.extui %sign3A_243 : i1 to i32
          %sign3A_245 = arith.subi %sign3A_241, %sign3A_244 : i32
          %sign3A_246 = arith.constant 0 : i32
          %sign3A_247 = arith.cmpi sgt, %jit3A, %sign3A_246 : i32
          %sign3A_248 = arith.extui %sign3A_247 : i1 to i32
          %sign3A_249 = arith.constant 0 : i32
          %sign3A_250 = arith.cmpi slt, %jit3A, %sign3A_249 : i32
          %sign3A_251 = arith.extui %sign3A_250 : i1 to i32
          %sign3A_252 = arith.subi %sign3A_248, %sign3A_251 : i32
          %ne3A = arith.cmpi ne, %sign3A_245, %sign3A_252 : i32
          %rem3A = arith.remsi %add3A_239, %jit3A : i32
          %ne3A_253 = arith.constant 0 : i32
          %ne3A_254 = arith.cmpi ne, %rem3A, %ne3A_253 : i32
          %and3A = arith.andi %ne3A, %ne3A_254 : i1
          %sub3A = arith.constant 1 : i32
          %sub3A_255 = arith.subi %div3A, %sub3A : i32
          %select_n3A = arith.select %and3A, %sub3A_255, %div3A : i32
          %jit3A_256 = arith.constant 8 : i32
          %eq3A = arith.constant 0 : i32
          %eq3A_257 = arith.cmpi eq, %jit3A_256, %eq3A : i32
          %jit3A_258 = arith.constant 1 : i32
          %select_n3A_259 = arith.select %eq3A_257, %jit3A_258, %jit3A_256 : i32
          %rem3A_260 = arith.remsi %add3A_239, %select_n3A_259 : i32
          %ne3A_261 = arith.constant 0 : i32
          %ne3A_262 = arith.cmpi ne, %rem3A_260, %ne3A_261 : i32
          %lt3A_263 = arith.constant 0 : i32
          %lt3A_264 = arith.cmpi slt, %rem3A_260, %lt3A_263 : i32
          %lt3A_265 = arith.constant 0 : i32
          %lt3A_266 = arith.cmpi slt, %select_n3A_259, %lt3A_265 : i32
          %ne3A_267 = arith.xori %lt3A_264, %lt3A_266 : i1
          %and3A_268 = arith.andi %ne3A_267, %ne3A_262 : i1
          %add3A_269 = arith.addi %rem3A_260, %select_n3A_259 : i32
          %select_n3A_270 = arith.select %and3A_268, %add3A_269, %rem3A_260 : i32
          %mul3A_271 = arith.constant 16 : i32
          %mul3A_272 = arith.muli %select_n3A_270, %mul3A_271 : i32
          %get3A_273 = arith.index_cast %select_n3A : i32 to index
          %get3A_274 = arith.index_cast %mul3A_272 : i32 to index
          %get3A_275 = tpu.vector_load %arg5[%get3A_273, %get3A_274] {strides = array<i32>} : memref<200x128xi32, #tpu.memory_space<vmem>>, vector<1x16xi32>,
          %get3A_276 = vector.shape_cast %get3A_275 : vector<1x16xi32> to vector<16xi32>
          %slice3A_277 = vector.extract_strided_slice %get3A_276 {offsets = [0], sizes = [1], strides = [1]} : vector<16xi32> to vector<1xi32>
          %squeeze3A_278 = vector.extract %slice3A_277[0] : i32 from vector<1xi32>
          %eq3A_279 = arith.constant 0 : i32
          %eq3A_280 = arith.cmpi eq, %squeeze3A_278, %eq3A_279 : i32
          %convert_element_type3A_281 = arith.extui %eq3A_280 : i1 to i32
          %cond3A_282 = arith.constant 0 : i32
          %cond3A_283 = arith.cmpi ne, %convert_element_type3A_281, %cond3A_282 : i32
          scf.if %cond3A_283 {
            %mul3A_389 = arith.constant 16 : i32
            %mul3A_390 = arith.muli %scan3A_236, %mul3A_389 : i32
            %add3A_391 = arith.constant 0 : i32
            %add3A_392 = arith.addi %mul3A_390, %add3A_391 : i32
            %swap3A_393 = arith.index_cast %add3A_392 : i32 to index
            %swap3A_394 = arith.constant 0 : index
            %swap3A_395 = tpu.vector_load %arg6[%swap3A_393, %swap3A_394] {strides = array<i32>} : memref<1600x32xf32, #tpu.memory_space<vmem>>, vector<1x16xf32>,
            %swap3A_396 = vector.shape_cast %swap3A_395 : vector<1x16xf32> to vector<16xf32>
            %swap3A_397 = vector.shape_cast %broadcast_in_dim3A_5 : vector<16xf32> to vector<1x16xf32>
            tpu.vector_store %arg6[%swap3A_393, %swap3A_394], %swap3A_397 {strides = array<i32>} : memref<1600x32xf32, #tpu.memory_space<vmem>>, vector<1x16xf32>,
            %swap3A_398 = arith.index_cast %add3A_392 : i32 to index
            %swap3A_399 = arith.constant 16 : index
            %swap3A_400 = tpu.vector_load %arg6[%swap3A_398, %swap3A_399] {strides = array<i32>} : memref<1600x32xf32, #tpu.memory_space<vmem>>, vector<1x16xf32>,
            %swap3A_401 = vector.shape_cast %swap3A_400 : vector<1x16xf32> to vector<16xf32>
            %swap3A_402 = vector.shape_cast %broadcast_in_dim3A_5 : vector<16xf32> to vector<1x16xf32>
            tpu.vector_store %arg6[%swap3A_398, %swap3A_399], %swap3A_402 {strides = array<i32>} : memref<1600x32xf32, #tpu.memory_space<vmem>>, vector<1x16xf32>,
          } else {
          }
          %slice3A_284 = vector.extract_strided_slice %get3A_276 {offsets = [1], sizes = [1], strides = [1]} : vector<16xi32> to vector<1xi32>
          %squeeze3A_285 = vector.extract %slice3A_284[0] : i32 from vector<1xi32>
          %eq3A_286 = arith.constant 0 : i32
          %eq3A_287 = arith.cmpi eq, %squeeze3A_285, %eq3A_286 : i32
          %convert_element_type3A_288 = arith.extui %eq3A_287 : i1 to i32
          %cond3A_289 = arith.constant 0 : i32
          %cond3A_290 = arith.cmpi ne, %convert_element_type3A_288, %cond3A_289 : i32
          scf.if %cond3A_290 {
            %mul3A_389 = arith.constant 16 : i32
            %mul3A_390 = arith.muli %scan3A_236, %mul3A_389 : i32
            %add3A_391 = arith.constant 1 : i32
            %add3A_392 = arith.addi %mul3A_390, %add3A_391 : i32
            %swap3A_393 = arith.index_cast %add3A_392 : i32 to index
            %swap3A_394 = arith.constant 0 : index
            %swap3A_395 = tpu.vector_load %arg6[%swap3A_393, %swap3A_394] {strides = array<i32>} : memref<1600x32xf32, #tpu.memory_space<vmem>>, vector<1x16xf32>,
            %swap3A_396 = vector.shape_cast %swap3A_395 : vector<1x16xf32> to vector<16xf32>
            %swap3A_397 = vector.shape_cast %broadcast_in_dim3A_5 : vector<16xf32> to vector<1x16xf32>
            tpu.vector_store %arg6[%swap3A_393, %swap3A_394], %swap3A_397 {strides = array<i32>} : memref<1600x32xf32, #tpu.memory_space<vmem>>, vector<1x16xf32>,
            %swap3A_398 = arith.index_cast %add3A_392 : i32 to index
            %swap3A_399 = arith.constant 16 : index
            %swap3A_400 = tpu.vector_load %arg6[%swap3A_398, %swap3A_399] {strides = array<i32>} : memref<1600x32xf32, #tpu.memory_space<vmem>>, vector<1x16xf32>,
            %swap3A_401 = vector.shape_cast %swap3A_400 : vector<1x16xf32> to vector<16xf32>
            %swap3A_402 = vector.shape_cast %broadcast_in_dim3A_5 : vector<16xf32> to vector<1x16xf32>
            tpu.vector_store %arg6[%swap3A_398, %swap3A_399], %swap3A_402 {strides = array<i32>} : memref<1600x32xf32, #tpu.memory_space<vmem>>, vector<1x16xf32>,
          } else {
          }
          %slice3A_291 = vector.extract_strided_slice %get3A_276 {offsets = [2], sizes = [1], strides = [1]} : vector<16xi32> to vector<1xi32>
          %squeeze3A_292 = vector.extract %slice3A_291[0] : i32 from vector<1xi32>
          %eq3A_293 = arith.constant 0 : i32
          %eq3A_294 = arith.cmpi eq, %squeeze3A_292, %eq3A_293 : i32
          %convert_element_type3A_295 = arith.extui %eq3A_294 : i1 to i32
          %cond3A_296 = arith.constant 0 : i32
          %cond3A_297 = arith.cmpi ne, %convert_element_type3A_295, %cond3A_296 : i32
          scf.if %cond3A_297 {
            %mul3A_389 = arith.constant 16 : i32
            %mul3A_390 = arith.muli %scan3A_236, %mul3A_389 : i32
            %add3A_391 = arith.constant 2 : i32
            %add3A_392 = arith.addi %mul3A_390, %add3A_391 : i32
            %swap3A_393 = arith.index_cast %add3A_392 : i32 to index
            %swap3A_394 = arith.constant 0 : index
            %swap3A_395 = tpu.vector_load %arg6[%swap3A_393, %swap3A_394] {strides = array<i32>} : memref<1600x32xf32, #tpu.memory_space<vmem>>, vector<1x16xf32>,
            %swap3A_396 = vector.shape_cast %swap3A_395 : vector<1x16xf32> to vector<16xf32>
            %swap3A_397 = vector.shape_cast %broadcast_in_dim3A_5 : vector<16xf32> to vector<1x16xf32>
            tpu.vector_store %arg6[%swap3A_393, %swap3A_394], %swap3A_397 {strides = array<i32>} : memref<1600x32xf32, #tpu.memory_space<vmem>>, vector<1x16xf32>,
            %swap3A_398 = arith.index_cast %add3A_392 : i32 to index
            %swap3A_399 = arith.constant 16 : index
            %swap3A_400 = tpu.vector_load %arg6[%swap3A_398, %swap3A_399] {strides = array<i32>} : memref<1600x32xf32, #tpu.memory_space<vmem>>, vector<1x16xf32>,
            %swap3A_401 = vector.shape_cast %swap3A_400 : vector<1x16xf32> to vector<16xf32>
            %swap3A_402 = vector.shape_cast %broadcast_in_dim3A_5 : vector<16xf32> to vector<1x16xf32>
            tpu.vector_store %arg6[%swap3A_398, %swap3A_399], %swap3A_402 {strides = array<i32>} : memref<1600x32xf32, #tpu.memory_space<vmem>>, vector<1x16xf32>,
          } else {
          }
          %slice3A_298 = vector.extract_strided_slice %get3A_276 {offsets = [3], sizes = [1], strides = [1]} : vector<16xi32> to vector<1xi32>
          %squeeze3A_299 = vector.extract %slice3A_298[0] : i32 from vector<1xi32>
          %eq3A_300 = arith.constant 0 : i32
          %eq3A_301 = arith.cmpi eq, %squeeze3A_299, %eq3A_300 : i32
          %convert_element_type3A_302 = arith.extui %eq3A_301 : i1 to i32
          %cond3A_303 = arith.constant 0 : i32
          %cond3A_304 = arith.cmpi ne, %convert_element_type3A_302, %cond3A_303 : i32
          scf.if %cond3A_304 {
            %mul3A_389 = arith.constant 16 : i32
            %mul3A_390 = arith.muli %scan3A_236, %mul3A_389 : i32
            %add3A_391 = arith.constant 3 : i32
            %add3A_392 = arith.addi %mul3A_390, %add3A_391 : i32
            %swap3A_393 = arith.index_cast %add3A_392 : i32 to index
            %swap3A_394 = arith.constant 0 : index
            %swap3A_395 = tpu.vector_load %arg6[%swap3A_393, %swap3A_394] {strides = array<i32>} : memref<1600x32xf32, #tpu.memory_space<vmem>>, vector<1x16xf32>,
            %swap3A_396 = vector.shape_cast %swap3A_395 : vector<1x16xf32> to vector<16xf32>
            %swap3A_397 = vector.shape_cast %broadcast_in_dim3A_5 : vector<16xf32> to vector<1x16xf32>
            tpu.vector_store %arg6[%swap3A_393, %swap3A_394], %swap3A_397 {strides = array<i32>} : memref<1600x32xf32, #tpu.memory_space<vmem>>, vector<1x16xf32>,
            %swap3A_398 = arith.index_cast %add3A_392 : i32 to index
            %swap3A_399 = arith.constant 16 : index
            %swap3A_400 = tpu.vector_load %arg6[%swap3A_398, %swap3A_399] {strides = array<i32>} : memref<1600x32xf32, #tpu.memory_space<vmem>>, vector<1x16xf32>,
            %swap3A_401 = vector.shape_cast %swap3A_400 : vector<1x16xf32> to vector<16xf32>
            %swap3A_402 = vector.shape_cast %broadcast_in_dim3A_5 : vector<16xf32> to vector<1x16xf32>
            tpu.vector_store %arg6[%swap3A_398, %swap3A_399], %swap3A_402 {strides = array<i32>} : memref<1600x32xf32, #tpu.memory_space<vmem>>, vector<1x16xf32>,
          } else {
          }
          %slice3A_305 = vector.extract_strided_slice %get3A_276 {offsets = [4], sizes = [1], strides = [1]} : vector<16xi32> to vector<1xi32>
          %squeeze3A_306 = vector.extract %slice3A_305[0] : i32 from vector<1xi32>
          %eq3A_307 = arith.constant 0 : i32
          %eq3A_308 = arith.cmpi eq, %squeeze3A_306, %eq3A_307 : i32
          %convert_element_type3A_309 = arith.extui %eq3A_308 : i1 to i32
          %cond3A_310 = arith.constant 0 : i32
          %cond3A_311 = arith.cmpi ne, %convert_element_type3A_309, %cond3A_310 : i32
          scf.if %cond3A_311 {
            %mul3A_389 = arith.constant 16 : i32
            %mul3A_390 = arith.muli %scan3A_236, %mul3A_389 : i32
            %add3A_391 = arith.constant 4 : i32
            %add3A_392 = arith.addi %mul3A_390, %add3A_391 : i32
            %swap3A_393 = arith.index_cast %add3A_392 : i32 to index
            %swap3A_394 = arith.constant 0 : index
            %swap3A_395 = tpu.vector_load %arg6[%swap3A_393, %swap3A_394] {strides = array<i32>} : memref<1600x32xf32, #tpu.memory_space<vmem>>, vector<1x16xf32>,
            %swap3A_396 = vector.shape_cast %swap3A_395 : vector<1x16xf32> to vector<16xf32>
            %swap3A_397 = vector.shape_cast %broadcast_in_dim3A_5 : vector<16xf32> to vector<1x16xf32>
            tpu.vector_store %arg6[%swap3A_393, %swap3A_394], %swap3A_397 {strides = array<i32>} : memref<1600x32xf32, #tpu.memory_space<vmem>>, vector<1x16xf32>,
            %swap3A_398 = arith.index_cast %add3A_392 : i32 to index
            %swap3A_399 = arith.constant 16 : index
            %swap3A_400 = tpu.vector_load %arg6[%swap3A_398, %swap3A_399] {strides = array<i32>} : memref<1600x32xf32, #tpu.memory_space<vmem>>, vector<1x16xf32>,
            %swap3A_401 = vector.shape_cast %swap3A_400 : vector<1x16xf32> to vector<16xf32>
            %swap3A_402 = vector.shape_cast %broadcast_in_dim3A_5 : vector<16xf32> to vector<1x16xf32>
            tpu.vector_store %arg6[%swap3A_398, %swap3A_399], %swap3A_402 {strides = array<i32>} : memref<1600x32xf32, #tpu.memory_space<vmem>>, vector<1x16xf32>,
          } else {
          }
          %slice3A_312 = vector.extract_strided_slice %get3A_276 {offsets = [5], sizes = [1], strides = [1]} : vector<16xi32> to vector<1xi32>
          %squeeze3A_313 = vector.extract %slice3A_312[0] : i32 from vector<1xi32>
          %eq3A_314 = arith.constant 0 : i32
          %eq3A_315 = arith.cmpi eq, %squeeze3A_313, %eq3A_314 : i32
          %convert_element_type3A_316 = arith.extui %eq3A_315 : i1 to i32
          %cond3A_317 = arith.constant 0 : i32
          %cond3A_318 = arith.cmpi ne, %convert_element_type3A_316, %cond3A_317 : i32
          scf.if %cond3A_318 {
            %mul3A_389 = arith.constant 16 : i32
            %mul3A_390 = arith.muli %scan3A_236, %mul3A_389 : i32
            %add3A_391 = arith.constant 5 : i32
            %add3A_392 = arith.addi %mul3A_390, %add3A_391 : i32
            %swap3A_393 = arith.index_cast %add3A_392 : i32 to index
            %swap3A_394 = arith.constant 0 : index
            %swap3A_395 = tpu.vector_load %arg6[%swap3A_393, %swap3A_394] {strides = array<i32>} : memref<1600x32xf32, #tpu.memory_space<vmem>>, vector<1x16xf32>,
            %swap3A_396 = vector.shape_cast %swap3A_395 : vector<1x16xf32> to vector<16xf32>
            %swap3A_397 = vector.shape_cast %broadcast_in_dim3A_5 : vector<16xf32> to vector<1x16xf32>
            tpu.vector_store %arg6[%swap3A_393, %swap3A_394], %swap3A_397 {strides = array<i32>} : memref<1600x32xf32, #tpu.memory_space<vmem>>, vector<1x16xf32>,
            %swap3A_398 = arith.index_cast %add3A_392 : i32 to index
            %swap3A_399 = arith.constant 16 : index
            %swap3A_400 = tpu.vector_load %arg6[%swap3A_398, %swap3A_399] {strides = array<i32>} : memref<1600x32xf32, #tpu.memory_space<vmem>>, vector<1x16xf32>,
            %swap3A_401 = vector.shape_cast %swap3A_400 : vector<1x16xf32> to vector<16xf32>
            %swap3A_402 = vector.shape_cast %broadcast_in_dim3A_5 : vector<16xf32> to vector<1x16xf32>
            tpu.vector_store %arg6[%swap3A_398, %swap3A_399], %swap3A_402 {strides = array<i32>} : memref<1600x32xf32, #tpu.memory_space<vmem>>, vector<1x16xf32>,
          } else {
          }
          %slice3A_319 = vector.extract_strided_slice %get3A_276 {offsets = [6], sizes = [1], strides = [1]} : vector<16xi32> to vector<1xi32>
          %squeeze3A_320 = vector.extract %slice3A_319[0] : i32 from vector<1xi32>
          %eq3A_321 = arith.constant 0 : i32
          %eq3A_322 = arith.cmpi eq, %squeeze3A_320, %eq3A_321 : i32
          %convert_element_type3A_323 = arith.extui %eq3A_322 : i1 to i32
          %cond3A_324 = arith.constant 0 : i32
          %cond3A_325 = arith.cmpi ne, %convert_element_type3A_323, %cond3A_324 : i32
          scf.if %cond3A_325 {
            %mul3A_389 = arith.constant 16 : i32
            %mul3A_390 = arith.muli %scan3A_236, %mul3A_389 : i32
            %add3A_391 = arith.constant 6 : i32
            %add3A_392 = arith.addi %mul3A_390, %add3A_391 : i32
            %swap3A_393 = arith.index_cast %add3A_392 : i32 to index
            %swap3A_394 = arith.constant 0 : index
            %swap3A_395 = tpu.vector_load %arg6[%swap3A_393, %swap3A_394] {strides = array<i32>} : memref<1600x32xf32, #tpu.memory_space<vmem>>, vector<1x16xf32>,
            %swap3A_396 = vector.shape_cast %swap3A_395 : vector<1x16xf32> to vector<16xf32>
            %swap3A_397 = vector.shape_cast %broadcast_in_dim3A_5 : vector<16xf32> to vector<1x16xf32>
            tpu.vector_store %arg6[%swap3A_393, %swap3A_394], %swap3A_397 {strides = array<i32>} : memref<1600x32xf32, #tpu.memory_space<vmem>>, vector<1x16xf32>,
            %swap3A_398 = arith.index_cast %add3A_392 : i32 to index
            %swap3A_399 = arith.constant 16 : index
            %swap3A_400 = tpu.vector_load %arg6[%swap3A_398, %swap3A_399] {strides = array<i32>} : memref<1600x32xf32, #tpu.memory_space<vmem>>, vector<1x16xf32>,
            %swap3A_401 = vector.shape_cast %swap3A_400 : vector<1x16xf32> to vector<16xf32>
            %swap3A_402 = vector.shape_cast %broadcast_in_dim3A_5 : vector<16xf32> to vector<1x16xf32>
            tpu.vector_store %arg6[%swap3A_398, %swap3A_399], %swap3A_402 {strides = array<i32>} : memref<1600x32xf32, #tpu.memory_space<vmem>>, vector<1x16xf32>,
          } else {
          }
          %slice3A_326 = vector.extract_strided_slice %get3A_276 {offsets = [7], sizes = [1], strides = [1]} : vector<16xi32> to vector<1xi32>
          %squeeze3A_327 = vector.extract %slice3A_326[0] : i32 from vector<1xi32>
          %eq3A_328 = arith.constant 0 : i32
          %eq3A_329 = arith.cmpi eq, %squeeze3A_327, %eq3A_328 : i32
          %convert_element_type3A_330 = arith.extui %eq3A_329 : i1 to i32
          %cond3A_331 = arith.constant 0 : i32
          %cond3A_332 = arith.cmpi ne, %convert_element_type3A_330, %cond3A_331 : i32
          scf.if %cond3A_332 {
            %mul3A_389 = arith.constant 16 : i32
            %mul3A_390 = arith.muli %scan3A_236, %mul3A_389 : i32
            %add3A_391 = arith.constant 7 : i32
            %add3A_392 = arith.addi %mul3A_390, %add3A_391 : i32
            %swap3A_393 = arith.index_cast %add3A_392 : i32 to index
            %swap3A_394 = arith.constant 0 : index
            %swap3A_395 = tpu.vector_load %arg6[%swap3A_393, %swap3A_394] {strides = array<i32>} : memref<1600x32xf32, #tpu.memory_space<vmem>>, vector<1x16xf32>,
            %swap3A_396 = vector.shape_cast %swap3A_395 : vector<1x16xf32> to vector<16xf32>
            %swap3A_397 = vector.shape_cast %broadcast_in_dim3A_5 : vector<16xf32> to vector<1x16xf32>
            tpu.vector_store %arg6[%swap3A_393, %swap3A_394], %swap3A_397 {strides = array<i32>} : memref<1600x32xf32, #tpu.memory_space<vmem>>, vector<1x16xf32>,
            %swap3A_398 = arith.index_cast %add3A_392 : i32 to index
            %swap3A_399 = arith.constant 16 : index
            %swap3A_400 = tpu.vector_load %arg6[%swap3A_398, %swap3A_399] {strides = array<i32>} : memref<1600x32xf32, #tpu.memory_space<vmem>>, vector<1x16xf32>,
            %swap3A_401 = vector.shape_cast %swap3A_400 : vector<1x16xf32> to vector<16xf32>
            %swap3A_402 = vector.shape_cast %broadcast_in_dim3A_5 : vector<16xf32> to vector<1x16xf32>
            tpu.vector_store %arg6[%swap3A_398, %swap3A_399], %swap3A_402 {strides = array<i32>} : memref<1600x32xf32, #tpu.memory_space<vmem>>, vector<1x16xf32>,
          } else {
          }
          %slice3A_333 = vector.extract_strided_slice %get3A_276 {offsets = [8], sizes = [1], strides = [1]} : vector<16xi32> to vector<1xi32>
          %squeeze3A_334 = vector.extract %slice3A_333[0] : i32 from vector<1xi32>
          %eq3A_335 = arith.constant 0 : i32
          %eq3A_336 = arith.cmpi eq, %squeeze3A_334, %eq3A_335 : i32
          %convert_element_type3A_337 = arith.extui %eq3A_336 : i1 to i32
          %cond3A_338 = arith.constant 0 : i32
          %cond3A_339 = arith.cmpi ne, %convert_element_type3A_337, %cond3A_338 : i32
          scf.if %cond3A_339 {
            %mul3A_389 = arith.constant 16 : i32
            %mul3A_390 = arith.muli %scan3A_236, %mul3A_389 : i32
            %add3A_391 = arith.constant 8 : i32
            %add3A_392 = arith.addi %mul3A_390, %add3A_391 : i32
            %swap3A_393 = arith.index_cast %add3A_392 : i32 to index
            %swap3A_394 = arith.constant 0 : index
            %swap3A_395 = tpu.vector_load %arg6[%swap3A_393, %swap3A_394] {strides = array<i32>} : memref<1600x32xf32, #tpu.memory_space<vmem>>, vector<1x16xf32>,
            %swap3A_396 = vector.shape_cast %swap3A_395 : vector<1x16xf32> to vector<16xf32>
            %swap3A_397 = vector.shape_cast %broadcast_in_dim3A_5 : vector<16xf32> to vector<1x16xf32>
            tpu.vector_store %arg6[%swap3A_393, %swap3A_394], %swap3A_397 {strides = array<i32>} : memref<1600x32xf32, #tpu.memory_space<vmem>>, vector<1x16xf32>,
            %swap3A_398 = arith.index_cast %add3A_392 : i32 to index
            %swap3A_399 = arith.constant 16 : index
            %swap3A_400 = tpu.vector_load %arg6[%swap3A_398, %swap3A_399] {strides = array<i32>} : memref<1600x32xf32, #tpu.memory_space<vmem>>, vector<1x16xf32>,
            %swap3A_401 = vector.shape_cast %swap3A_400 : vector<1x16xf32> to vector<16xf32>
            %swap3A_402 = vector.shape_cast %broadcast_in_dim3A_5 : vector<16xf32> to vector<1x16xf32>
            tpu.vector_store %arg6[%swap3A_398, %swap3A_399], %swap3A_402 {strides = array<i32>} : memref<1600x32xf32, #tpu.memory_space<vmem>>, vector<1x16xf32>,
          } else {
          }
          %slice3A_340 = vector.extract_strided_slice %get3A_276 {offsets = [9], sizes = [1], strides = [1]} : vector<16xi32> to vector<1xi32>
          %squeeze3A_341 = vector.extract %slice3A_340[0] : i32 from vector<1xi32>
          %eq3A_342 = arith.constant 0 : i32
          %eq3A_343 = arith.cmpi eq, %squeeze3A_341, %eq3A_342 : i32
          %convert_element_type3A_344 = arith.extui %eq3A_343 : i1 to i32
          %cond3A_345 = arith.constant 0 : i32
          %cond3A_346 = arith.cmpi ne, %convert_element_type3A_344, %cond3A_345 : i32
          scf.if %cond3A_346 {
            %mul3A_389 = arith.constant 16 : i32
            %mul3A_390 = arith.muli %scan3A_236, %mul3A_389 : i32
            %add3A_391 = arith.constant 9 : i32
            %add3A_392 = arith.addi %mul3A_390, %add3A_391 : i32
            %swap3A_393 = arith.index_cast %add3A_392 : i32 to index
            %swap3A_394 = arith.constant 0 : index
            %swap3A_395 = tpu.vector_load %arg6[%swap3A_393, %swap3A_394] {strides = array<i32>} : memref<1600x32xf32, #tpu.memory_space<vmem>>, vector<1x16xf32>,
            %swap3A_396 = vector.shape_cast %swap3A_395 : vector<1x16xf32> to vector<16xf32>
            %swap3A_397 = vector.shape_cast %broadcast_in_dim3A_5 : vector<16xf32> to vector<1x16xf32>
            tpu.vector_store %arg6[%swap3A_393, %swap3A_394], %swap3A_397 {strides = array<i32>} : memref<1600x32xf32, #tpu.memory_space<vmem>>, vector<1x16xf32>,
            %swap3A_398 = arith.index_cast %add3A_392 : i32 to index
            %swap3A_399 = arith.constant 16 : index
            %swap3A_400 = tpu.vector_load %arg6[%swap3A_398, %swap3A_399] {strides = array<i32>} : memref<1600x32xf32, #tpu.memory_space<vmem>>, vector<1x16xf32>,
            %swap3A_401 = vector.shape_cast %swap3A_400 : vector<1x16xf32> to vector<16xf32>
            %swap3A_402 = vector.shape_cast %broadcast_in_dim3A_5 : vector<16xf32> to vector<1x16xf32>
            tpu.vector_store %arg6[%swap3A_398, %swap3A_399], %swap3A_402 {strides = array<i32>} : memref<1600x32xf32, #tpu.memory_space<vmem>>, vector<1x16xf32>,
          } else {
          }
          %slice3A_347 = vector.extract_strided_slice %get3A_276 {offsets = [10], sizes = [1], strides = [1]} : vector<16xi32> to vector<1xi32>
          %squeeze3A_348 = vector.extract %slice3A_347[0] : i32 from vector<1xi32>
          %eq3A_349 = arith.constant 0 : i32
          %eq3A_350 = arith.cmpi eq, %squeeze3A_348, %eq3A_349 : i32
          %convert_element_type3A_351 = arith.extui %eq3A_350 : i1 to i32
          %cond3A_352 = arith.constant 0 : i32
          %cond3A_353 = arith.cmpi ne, %convert_element_type3A_351, %cond3A_352 : i32
          scf.if %cond3A_353 {
            %mul3A_389 = arith.constant 16 : i32
            %mul3A_390 = arith.muli %scan3A_236, %mul3A_389 : i32
            %add3A_391 = arith.constant 10 : i32
            %add3A_392 = arith.addi %mul3A_390, %add3A_391 : i32
            %swap3A_393 = arith.index_cast %add3A_392 : i32 to index
            %swap3A_394 = arith.constant 0 : index
            %swap3A_395 = tpu.vector_load %arg6[%swap3A_393, %swap3A_394] {strides = array<i32>} : memref<1600x32xf32, #tpu.memory_space<vmem>>, vector<1x16xf32>,
            %swap3A_396 = vector.shape_cast %swap3A_395 : vector<1x16xf32> to vector<16xf32>
            %swap3A_397 = vector.shape_cast %broadcast_in_dim3A_5 : vector<16xf32> to vector<1x16xf32>
            tpu.vector_store %arg6[%swap3A_393, %swap3A_394], %swap3A_397 {strides = array<i32>} : memref<1600x32xf32, #tpu.memory_space<vmem>>, vector<1x16xf32>,
            %swap3A_398 = arith.index_cast %add3A_392 : i32 to index
            %swap3A_399 = arith.constant 16 : index
            %swap3A_400 = tpu.vector_load %arg6[%swap3A_398, %swap3A_399] {strides = array<i32>} : memref<1600x32xf32, #tpu.memory_space<vmem>>, vector<1x16xf32>,
            %swap3A_401 = vector.shape_cast %swap3A_400 : vector<1x16xf32> to vector<16xf32>
            %swap3A_402 = vector.shape_cast %broadcast_in_dim3A_5 : vector<16xf32> to vector<1x16xf32>
            tpu.vector_store %arg6[%swap3A_398, %swap3A_399], %swap3A_402 {strides = array<i32>} : memref<1600x32xf32, #tpu.memory_space<vmem>>, vector<1x16xf32>,
          } else {
          }
          %slice3A_354 = vector.extract_strided_slice %get3A_276 {offsets = [11], sizes = [1], strides = [1]} : vector<16xi32> to vector<1xi32>
          %squeeze3A_355 = vector.extract %slice3A_354[0] : i32 from vector<1xi32>
          %eq3A_356 = arith.constant 0 : i32
          %eq3A_357 = arith.cmpi eq, %squeeze3A_355, %eq3A_356 : i32
          %convert_element_type3A_358 = arith.extui %eq3A_357 : i1 to i32
          %cond3A_359 = arith.constant 0 : i32
          %cond3A_360 = arith.cmpi ne, %convert_element_type3A_358, %cond3A_359 : i32
          scf.if %cond3A_360 {
            %mul3A_389 = arith.constant 16 : i32
            %mul3A_390 = arith.muli %scan3A_236, %mul3A_389 : i32
            %add3A_391 = arith.constant 11 : i32
            %add3A_392 = arith.addi %mul3A_390, %add3A_391 : i32
            %swap3A_393 = arith.index_cast %add3A_392 : i32 to index
            %swap3A_394 = arith.constant 0 : index
            %swap3A_395 = tpu.vector_load %arg6[%swap3A_393, %swap3A_394] {strides = array<i32>} : memref<1600x32xf32, #tpu.memory_space<vmem>>, vector<1x16xf32>,
            %swap3A_396 = vector.shape_cast %swap3A_395 : vector<1x16xf32> to vector<16xf32>
            %swap3A_397 = vector.shape_cast %broadcast_in_dim3A_5 : vector<16xf32> to vector<1x16xf32>
            tpu.vector_store %arg6[%swap3A_393, %swap3A_394], %swap3A_397 {strides = array<i32>} : memref<1600x32xf32, #tpu.memory_space<vmem>>, vector<1x16xf32>,
            %swap3A_398 = arith.index_cast %add3A_392 : i32 to index
            %swap3A_399 = arith.constant 16 : index
            %swap3A_400 = tpu.vector_load %arg6[%swap3A_398, %swap3A_399] {strides = array<i32>} : memref<1600x32xf32, #tpu.memory_space<vmem>>, vector<1x16xf32>,
            %swap3A_401 = vector.shape_cast %swap3A_400 : vector<1x16xf32> to vector<16xf32>
            %swap3A_402 = vector.shape_cast %broadcast_in_dim3A_5 : vector<16xf32> to vector<1x16xf32>
            tpu.vector_store %arg6[%swap3A_398, %swap3A_399], %swap3A_402 {strides = array<i32>} : memref<1600x32xf32, #tpu.memory_space<vmem>>, vector<1x16xf32>,
          } else {
          }
          %slice3A_361 = vector.extract_strided_slice %get3A_276 {offsets = [12], sizes = [1], strides = [1]} : vector<16xi32> to vector<1xi32>
          %squeeze3A_362 = vector.extract %slice3A_361[0] : i32 from vector<1xi32>
          %eq3A_363 = arith.constant 0 : i32
          %eq3A_364 = arith.cmpi eq, %squeeze3A_362, %eq3A_363 : i32
          %convert_element_type3A_365 = arith.extui %eq3A_364 : i1 to i32
          %cond3A_366 = arith.constant 0 : i32
          %cond3A_367 = arith.cmpi ne, %convert_element_type3A_365, %cond3A_366 : i32
          scf.if %cond3A_367 {
            %mul3A_389 = arith.constant 16 : i32
            %mul3A_390 = arith.muli %scan3A_236, %mul3A_389 : i32
            %add3A_391 = arith.constant 12 : i32
            %add3A_392 = arith.addi %mul3A_390, %add3A_391 : i32
            %swap3A_393 = arith.index_cast %add3A_392 : i32 to index
            %swap3A_394 = arith.constant 0 : index
            %swap3A_395 = tpu.vector_load %arg6[%swap3A_393, %swap3A_394] {strides = array<i32>} : memref<1600x32xf32, #tpu.memory_space<vmem>>, vector<1x16xf32>,
            %swap3A_396 = vector.shape_cast %swap3A_395 : vector<1x16xf32> to vector<16xf32>
            %swap3A_397 = vector.shape_cast %broadcast_in_dim3A_5 : vector<16xf32> to vector<1x16xf32>
            tpu.vector_store %arg6[%swap3A_393, %swap3A_394], %swap3A_397 {strides = array<i32>} : memref<1600x32xf32, #tpu.memory_space<vmem>>, vector<1x16xf32>,
            %swap3A_398 = arith.index_cast %add3A_392 : i32 to index
            %swap3A_399 = arith.constant 16 : index
            %swap3A_400 = tpu.vector_load %arg6[%swap3A_398, %swap3A_399] {strides = array<i32>} : memref<1600x32xf32, #tpu.memory_space<vmem>>, vector<1x16xf32>,
            %swap3A_401 = vector.shape_cast %swap3A_400 : vector<1x16xf32> to vector<16xf32>
            %swap3A_402 = vector.shape_cast %broadcast_in_dim3A_5 : vector<16xf32> to vector<1x16xf32>
            tpu.vector_store %arg6[%swap3A_398, %swap3A_399], %swap3A_402 {strides = array<i32>} : memref<1600x32xf32, #tpu.memory_space<vmem>>, vector<1x16xf32>,
          } else {
          }
          %slice3A_368 = vector.extract_strided_slice %get3A_276 {offsets = [13], sizes = [1], strides = [1]} : vector<16xi32> to vector<1xi32>
          %squeeze3A_369 = vector.extract %slice3A_368[0] : i32 from vector<1xi32>
          %eq3A_370 = arith.constant 0 : i32
          %eq3A_371 = arith.cmpi eq, %squeeze3A_369, %eq3A_370 : i32
          %convert_element_type3A_372 = arith.extui %eq3A_371 : i1 to i32
          %cond3A_373 = arith.constant 0 : i32
          %cond3A_374 = arith.cmpi ne, %convert_element_type3A_372, %cond3A_373 : i32
          scf.if %cond3A_374 {
            %mul3A_389 = arith.constant 16 : i32
            %mul3A_390 = arith.muli %scan3A_236, %mul3A_389 : i32
            %add3A_391 = arith.constant 13 : i32
            %add3A_392 = arith.addi %mul3A_390, %add3A_391 : i32
            %swap3A_393 = arith.index_cast %add3A_392 : i32 to index
            %swap3A_394 = arith.constant 0 : index
            %swap3A_395 = tpu.vector_load %arg6[%swap3A_393, %swap3A_394] {strides = array<i32>} : memref<1600x32xf32, #tpu.memory_space<vmem>>, vector<1x16xf32>,
            %swap3A_396 = vector.shape_cast %swap3A_395 : vector<1x16xf32> to vector<16xf32>
            %swap3A_397 = vector.shape_cast %broadcast_in_dim3A_5 : vector<16xf32> to vector<1x16xf32>
            tpu.vector_store %arg6[%swap3A_393, %swap3A_394], %swap3A_397 {strides = array<i32>} : memref<1600x32xf32, #tpu.memory_space<vmem>>, vector<1x16xf32>,
            %swap3A_398 = arith.index_cast %add3A_392 : i32 to index
            %swap3A_399 = arith.constant 16 : index
            %swap3A_400 = tpu.vector_load %arg6[%swap3A_398, %swap3A_399] {strides = array<i32>} : memref<1600x32xf32, #tpu.memory_space<vmem>>, vector<1x16xf32>,
            %swap3A_401 = vector.shape_cast %swap3A_400 : vector<1x16xf32> to vector<16xf32>
            %swap3A_402 = vector.shape_cast %broadcast_in_dim3A_5 : vector<16xf32> to vector<1x16xf32>
            tpu.vector_store %arg6[%swap3A_398, %swap3A_399], %swap3A_402 {strides = array<i32>} : memref<1600x32xf32, #tpu.memory_space<vmem>>, vector<1x16xf32>,
          } else {
          }
          %slice3A_375 = vector.extract_strided_slice %get3A_276 {offsets = [14], sizes = [1], strides = [1]} : vector<16xi32> to vector<1xi32>
          %squeeze3A_376 = vector.extract %slice3A_375[0] : i32 from vector<1xi32>
          %eq3A_377 = arith.constant 0 : i32
          %eq3A_378 = arith.cmpi eq, %squeeze3A_376, %eq3A_377 : i32
          %convert_element_type3A_379 = arith.extui %eq3A_378 : i1 to i32
          %cond3A_380 = arith.constant 0 : i32
          %cond3A_381 = arith.cmpi ne, %convert_element_type3A_379, %cond3A_380 : i32
          scf.if %cond3A_381 {
            %mul3A_389 = arith.constant 16 : i32
            %mul3A_390 = arith.muli %scan3A_236, %mul3A_389 : i32
            %add3A_391 = arith.constant 14 : i32
            %add3A_392 = arith.addi %mul3A_390, %add3A_391 : i32
            %swap3A_393 = arith.index_cast %add3A_392 : i32 to index
            %swap3A_394 = arith.constant 0 : index
            %swap3A_395 = tpu.vector_load %arg6[%swap3A_393, %swap3A_394] {strides = array<i32>} : memref<1600x32xf32, #tpu.memory_space<vmem>>, vector<1x16xf32>,
            %swap3A_396 = vector.shape_cast %swap3A_395 : vector<1x16xf32> to vector<16xf32>
            %swap3A_397 = vector.shape_cast %broadcast_in_dim3A_5 : vector<16xf32> to vector<1x16xf32>
            tpu.vector_store %arg6[%swap3A_393, %swap3A_394], %swap3A_397 {strides = array<i32>} : memref<1600x32xf32, #tpu.memory_space<vmem>>, vector<1x16xf32>,
            %swap3A_398 = arith.index_cast %add3A_392 : i32 to index
            %swap3A_399 = arith.constant 16 : index
            %swap3A_400 = tpu.vector_load %arg6[%swap3A_398, %swap3A_399] {strides = array<i32>} : memref<1600x32xf32, #tpu.memory_space<vmem>>, vector<1x16xf32>,
            %swap3A_401 = vector.shape_cast %swap3A_400 : vector<1x16xf32> to vector<16xf32>
            %swap3A_402 = vector.shape_cast %broadcast_in_dim3A_5 : vector<16xf32> to vector<1x16xf32>
            tpu.vector_store %arg6[%swap3A_398, %swap3A_399], %swap3A_402 {strides = array<i32>} : memref<1600x32xf32, #tpu.memory_space<vmem>>, vector<1x16xf32>,
          } else {
          }
          %slice3A_382 = vector.extract_strided_slice %get3A_276 {offsets = [15], sizes = [1], strides = [1]} : vector<16xi32> to vector<1xi32>
          %squeeze3A_383 = vector.extract %slice3A_382[0] : i32 from vector<1xi32>
          %eq3A_384 = arith.constant 0 : i32
          %eq3A_385 = arith.cmpi eq, %squeeze3A_383, %eq3A_384 : i32
          %convert_element_type3A_386 = arith.extui %eq3A_385 : i1 to i32
          %cond3A_387 = arith.constant 0 : i32
          %cond3A_388 = arith.cmpi ne, %convert_element_type3A_386, %cond3A_387 : i32
          scf.if %cond3A_388 {
            %mul3A_389 = arith.constant 16 : i32
            %mul3A_390 = arith.muli %scan3A_236, %mul3A_389 : i32
            %add3A_391 = arith.constant 15 : i32
            %add3A_392 = arith.addi %mul3A_390, %add3A_391 : i32
            %swap3A_393 = arith.index_cast %add3A_392 : i32 to index
            %swap3A_394 = arith.constant 0 : index
            %swap3A_395 = tpu.vector_load %arg6[%swap3A_393, %swap3A_394] {strides = array<i32>} : memref<1600x32xf32, #tpu.memory_space<vmem>>, vector<1x16xf32>,
            %swap3A_396 = vector.shape_cast %swap3A_395 : vector<1x16xf32> to vector<16xf32>
            %swap3A_397 = vector.shape_cast %broadcast_in_dim3A_5 : vector<16xf32> to vector<1x16xf32>
            tpu.vector_store %arg6[%swap3A_393, %swap3A_394], %swap3A_397 {strides = array<i32>} : memref<1600x32xf32, #tpu.memory_space<vmem>>, vector<1x16xf32>,
            %swap3A_398 = arith.index_cast %add3A_392 : i32 to index
            %swap3A_399 = arith.constant 16 : index
            %swap3A_400 = tpu.vector_load %arg6[%swap3A_398, %swap3A_399] {strides = array<i32>} : memref<1600x32xf32, #tpu.memory_space<vmem>>, vector<1x16xf32>,
            %swap3A_401 = vector.shape_cast %swap3A_400 : vector<1x16xf32> to vector<16xf32>
            %swap3A_402 = vector.shape_cast %broadcast_in_dim3A_5 : vector<16xf32> to vector<1x16xf32>
            tpu.vector_store %arg6[%swap3A_398, %swap3A_399], %swap3A_402 {strides = array<i32>} : memref<1600x32xf32, #tpu.memory_space<vmem>>, vector<1x16xf32>,
          } else {
          }
        }
        %scan3A_235 = arith.constant 100 : i32
      } else {
      }
      %mul3A_114 = arith.constant 1600 : i32
      %mul3A_115 = arith.muli %mul3A_27, %mul3A_114 : i32
      %add3A_116 = arith.addi %mul3A_4, %mul3A_115 : i32
      %dma_start3A = arith.constant 0 : i32
      %dma_start3A_117 = arith.constant 0 : i32
      %dma_start3A_118 = tpu.memref_slice %arg4[%add3A_116, %dma_start3A_117] : memref<819200x32xf32, #tpu.memory_space<hbm>> -> memref<1600x32xf32, #tpu.memory_space<hbm>>
      %dma_start3A_119 = tpu.memref_slice %arg10[%dma_start3A] : memref<2x!tpu.dma_semaphore, #tpu.memory_space<semaphore_mem>> -> memref<1x!tpu.dma_semaphore, #tpu.memory_space<semaphore_mem>>
      %dma_start3A_120 = tpu.memref_squeeze %dma_start3A_119 : memref<1x!tpu.dma_semaphore, #tpu.memory_space<semaphore_mem>> -> memref<!tpu.dma_semaphore, #tpu.memory_space<semaphore_mem>>
      %dma_start3A_121 = arith.constant 0 : i32
      %dma_start3A_122 = tpu.memref_slice %arg4[%add3A_116, %dma_start3A_121] : memref<819200x32xf32, #tpu.memory_space<hbm>> -> memref<1600x32xf32, #tpu.memory_space<hbm>>
      tpu.enqueue_dma source(%arg6 : memref<1600x32xf32, #tpu.memory_space<vmem>>) target(%dma_start3A_122 : memref<1600x32xf32, #tpu.memory_space<hbm>>) target_semaphore(%dma_start3A_120 : memref<!tpu.dma_semaphore, #tpu.memory_space<semaphore_mem>>)
      %mul3A_123 = arith.constant 1600 : i32
      %mul3A_124 = arith.muli %mul3A_27, %mul3A_123 : i32
      %add3A_125 = arith.addi %mul3A_4, %mul3A_124 : i32
      %dma_wait3A_126 = arith.constant 0 : i32
      %dma_wait3A_127 = arith.constant 0 : i32
      %dma_wait3A_128 = tpu.memref_slice %arg4[%add3A_125, %dma_wait3A_127] : memref<819200x32xf32, #tpu.memory_space<hbm>> -> memref<1600x32xf32, #tpu.memory_space<hbm>>
      %dma_wait3A_129 = tpu.memref_slice %arg10[%dma_wait3A_126] : memref<2x!tpu.dma_semaphore, #tpu.memory_space<semaphore_mem>> -> memref<1x!tpu.dma_semaphore, #tpu.memory_space<semaphore_mem>>
      %dma_wait3A_130 = tpu.memref_squeeze %dma_wait3A_129 : memref<1x!tpu.dma_semaphore, #tpu.memory_space<semaphore_mem>> -> memref<!tpu.dma_semaphore, #tpu.memory_space<semaphore_mem>>
      %dma_wait3A_131 = arith.constant 0 : i32
      %dma_wait3A_132 = tpu.memref_slice %arg4[%add3A_125, %dma_wait3A_131] : memref<819200x32xf32, #tpu.memory_space<hbm>> -> memref<1600x32xf32, #tpu.memory_space<hbm>>
      tpu.wait_dma2 semaphore(%dma_wait3A_130 : memref<!tpu.dma_semaphore, #tpu.memory_space<semaphore_mem>>) src(%arg6 : memref<1600x32xf32, #tpu.memory_space<vmem>>) dst(%dma_wait3A_132 : memref<1600x32xf32, #tpu.memory_space<hbm>>)
      %lt3A = arith.constant 7 : i32
      %lt3A_133 = arith.cmpi slt, %scan3A_25, %lt3A : i32
      %convert_element_type3A_134 = arith.extui %lt3A_133 : i1 to i32
      %cond3A_135 = arith.constant 0 : i32
      %cond3A_136 = arith.cmpi ne, %convert_element_type3A_134, %cond3A_135 : i32
      scf.if %cond3A_136 {
        %add3A_230 = arith.constant 2 : i32
        %add3A_231 = arith.addi %mul3A_27, %add3A_230 : i32
        %scan3A_232 = arith.constant 0 : i32
        %scan3A_233 = arith.constant 0 : i32
        %scan3A_234 = arith.constant 100 : i32
        %scan3A_235 = arith.addi %scan3A_233, %scan3A_234 : i32
        %scan3A_236 = arith.constant 1 : i32
        scf.for %scan3A_238 = %scan3A_233 to %scan3A_235 step %scan3A_236  : i32 {
          %mul3A_239 = arith.constant 100 : i32
          %mul3A_240 = arith.muli %add3A_231, %mul3A_239 : i32
          %add3A_241 = arith.addi %mul3A_240, %scan3A_238 : i32
          %jit3A = arith.constant 8 : i32
          %div3A = arith.divsi %add3A_241, %jit3A : i32
          %sign3A = arith.constant 0 : i32
          %sign3A_242 = arith.cmpi sgt, %add3A_241, %sign3A : i32
          %sign3A_243 = arith.extui %sign3A_242 : i1 to i32
          %sign3A_244 = arith.constant 0 : i32
          %sign3A_245 = arith.cmpi slt, %add3A_241, %sign3A_244 : i32
          %sign3A_246 = arith.extui %sign3A_245 : i1 to i32
          %sign3A_247 = arith.subi %sign3A_243, %sign3A_246 : i32
          %sign3A_248 = arith.constant 0 : i32
          %sign3A_249 = arith.cmpi sgt, %jit3A, %sign3A_248 : i32
          %sign3A_250 = arith.extui %sign3A_249 : i1 to i32
          %sign3A_251 = arith.constant 0 : i32
          %sign3A_252 = arith.cmpi slt, %jit3A, %sign3A_251 : i32
          %sign3A_253 = arith.extui %sign3A_252 : i1 to i32
          %sign3A_254 = arith.subi %sign3A_250, %sign3A_253 : i32
          %ne3A = arith.cmpi ne, %sign3A_247, %sign3A_254 : i32
          %rem3A = arith.remsi %add3A_241, %jit3A : i32
          %ne3A_255 = arith.constant 0 : i32
          %ne3A_256 = arith.cmpi ne, %rem3A, %ne3A_255 : i32
          %and3A = arith.andi %ne3A, %ne3A_256 : i1
          %sub3A = arith.constant 1 : i32
          %sub3A_257 = arith.subi %div3A, %sub3A : i32
          %select_n3A = arith.select %and3A, %sub3A_257, %div3A : i32
          %jit3A_258 = arith.constant 8 : i32
          %eq3A = arith.constant 0 : i32
          %eq3A_259 = arith.cmpi eq, %jit3A_258, %eq3A : i32
          %jit3A_260 = arith.constant 1 : i32
          %select_n3A_261 = arith.select %eq3A_259, %jit3A_260, %jit3A_258 : i32
          %rem3A_262 = arith.remsi %add3A_241, %select_n3A_261 : i32
          %ne3A_263 = arith.constant 0 : i32
          %ne3A_264 = arith.cmpi ne, %rem3A_262, %ne3A_263 : i32
          %lt3A_265 = arith.constant 0 : i32
          %lt3A_266 = arith.cmpi slt, %rem3A_262, %lt3A_265 : i32
          %lt3A_267 = arith.constant 0 : i32
          %lt3A_268 = arith.cmpi slt, %select_n3A_261, %lt3A_267 : i32
          %ne3A_269 = arith.xori %lt3A_266, %lt3A_268 : i1
          %and3A_270 = arith.andi %ne3A_269, %ne3A_264 : i1
          %add3A_271 = arith.addi %rem3A_262, %select_n3A_261 : i32
          %select_n3A_272 = arith.select %and3A_270, %add3A_271, %rem3A_262 : i32
          %mul3A_273 = arith.constant 16 : i32
          %mul3A_274 = arith.muli %select_n3A_272, %mul3A_273 : i32
          %get3A_275 = arith.index_cast %select_n3A : i32 to index
          %get3A_276 = arith.index_cast %mul3A_274 : i32 to index
          %get3A_277 = tpu.vector_load %arg5[%get3A_275, %get3A_276] {strides = array<i32>} : memref<200x128xi32, #tpu.memory_space<vmem>>, vector<1x16xi32>,
          %get3A_278 = vector.shape_cast %get3A_277 : vector<1x16xi32> to vector<16xi32>
          %mul3A_279 = arith.constant 16 : i32
          %mul3A_280 = arith.muli %scan3A_238, %mul3A_279 : i32
          %dma_start3A_281 = arith.constant 0 : i32
          %dma_start3A_282 = arith.constant 0 : i32
          %dma_start3A_283 = tpu.memref_slice %arg6[%mul3A_280, %dma_start3A_282] : memref<1600x32xf32, #tpu.memory_space<vmem>> -> memref<16x32xf32, #tpu.memory_space<vmem>>
          %dma_start3A_284 = arith.constant 0 : i32
          %dma_start3A_285 = arith.constant 0 : i32
          %dma_start3A_286 = tpu.memref_slice %arg3[%dma_start3A_284, %dma_start3A_285] : memref<1000000x32xf32, #tpu.memory_space<hbm>> -> memref<1000000x32xf32, #tpu.memory_space<hbm>>
          %dma_start3A_287 = tpu.memref_slice %arg9[%dma_start3A_281] : memref<2x!tpu.dma_semaphore, #tpu.memory_space<semaphore_mem>> -> memref<1x!tpu.dma_semaphore, #tpu.memory_space<semaphore_mem>>
          %dma_start3A_288 = tpu.memref_squeeze %dma_start3A_287 : memref<1x!tpu.dma_semaphore, #tpu.memory_space<semaphore_mem>> -> memref<!tpu.dma_semaphore, #tpu.memory_space<semaphore_mem>>
          tpu.enqueue_indirect_dma source(%dma_start3A_286 : memref<1000000x32xf32, #tpu.memory_space<hbm>>) target(%dma_start3A_283 : memref<16x32xf32, #tpu.memory_space<vmem>>) offsets(%get3A_278 : vector<16xi32>) semaphore(%dma_start3A_288 : memref<!tpu.dma_semaphore, #tpu.memory_space<semaphore_mem>>)
        }
        %scan3A_237 = arith.constant 100 : i32
      } else {
      }
      %add3A_137 = arith.constant 1 : i32
      %add3A_138 = arith.addi %mul3A_27, %add3A_137 : i32
      %broadcast_in_dim3A_139 = arith.constant 0 : i32
      %broadcast_in_dim3A_140 = vector.broadcast %broadcast_in_dim3A_139 : i32 to vector<16xi32>
      %scan3A_141 = arith.constant 0 : i32
      %scan3A_142 = arith.constant 100 : i32
      %scan3A_143 = arith.addi %scan3A_141, %scan3A_142 : i32
      %scan3A_144 = arith.constant 1 : i32
      %scan3A_145 = scf.for %scan3A_230 = %scan3A_141 to %scan3A_143 step %scan3A_144 iter_args(%scan3A_231 = %broadcast_in_dim3A_140) -> (vector<16xi32>)  : i32 {
        %mul3A_232 = arith.constant 100 : i32
        %mul3A_233 = arith.muli %add3A_138, %mul3A_232 : i32
        %add3A_234 = arith.addi %mul3A_233, %scan3A_230 : i32
        %jit3A = arith.constant 8 : i32
        %div3A = arith.divsi %add3A_234, %jit3A : i32
        %sign3A = arith.constant 0 : i32
        %sign3A_235 = arith.cmpi sgt, %add3A_234, %sign3A : i32
        %sign3A_236 = arith.extui %sign3A_235 : i1 to i32
        %sign3A_237 = arith.constant 0 : i32
        %sign3A_238 = arith.cmpi slt, %add3A_234, %sign3A_237 : i32
        %sign3A_239 = arith.extui %sign3A_238 : i1 to i32
        %sign3A_240 = arith.subi %sign3A_236, %sign3A_239 : i32
        %sign3A_241 = arith.constant 0 : i32
        %sign3A_242 = arith.cmpi sgt, %jit3A, %sign3A_241 : i32
        %sign3A_243 = arith.extui %sign3A_242 : i1 to i32
        %sign3A_244 = arith.constant 0 : i32
        %sign3A_245 = arith.cmpi slt, %jit3A, %sign3A_244 : i32
        %sign3A_246 = arith.extui %sign3A_245 : i1 to i32
        %sign3A_247 = arith.subi %sign3A_243, %sign3A_246 : i32
        %ne3A = arith.cmpi ne, %sign3A_240, %sign3A_247 : i32
        %rem3A = arith.remsi %add3A_234, %jit3A : i32
        %ne3A_248 = arith.constant 0 : i32
        %ne3A_249 = arith.cmpi ne, %rem3A, %ne3A_248 : i32
        %and3A = arith.andi %ne3A, %ne3A_249 : i1
        %sub3A = arith.constant 1 : i32
        %sub3A_250 = arith.subi %div3A, %sub3A : i32
        %select_n3A = arith.select %and3A, %sub3A_250, %div3A : i32
        %jit3A_251 = arith.constant 8 : i32
        %eq3A = arith.constant 0 : i32
        %eq3A_252 = arith.cmpi eq, %jit3A_251, %eq3A : i32
        %jit3A_253 = arith.constant 1 : i32
        %select_n3A_254 = arith.select %eq3A_252, %jit3A_253, %jit3A_251 : i32
        %rem3A_255 = arith.remsi %add3A_234, %select_n3A_254 : i32
        %ne3A_256 = arith.constant 0 : i32
        %ne3A_257 = arith.cmpi ne, %rem3A_255, %ne3A_256 : i32
        %lt3A_258 = arith.constant 0 : i32
        %lt3A_259 = arith.cmpi slt, %rem3A_255, %lt3A_258 : i32
        %lt3A_260 = arith.constant 0 : i32
        %lt3A_261 = arith.cmpi slt, %select_n3A_254, %lt3A_260 : i32
        %ne3A_262 = arith.xori %lt3A_259, %lt3A_261 : i1
        %and3A_263 = arith.andi %ne3A_262, %ne3A_257 : i1
        %add3A_264 = arith.addi %rem3A_255, %select_n3A_254 : i32
        %select_n3A_265 = arith.select %and3A_263, %add3A_264, %rem3A_255 : i32
        %mul3A_266 = arith.constant 16 : i32
        %mul3A_267 = arith.muli %select_n3A_265, %mul3A_266 : i32
        %get3A_268 = arith.index_cast %select_n3A : i32 to index
        %get3A_269 = arith.index_cast %mul3A_267 : i32 to index
        %get3A_270 = tpu.vector_load %arg5[%get3A_268, %get3A_269] {strides = array<i32>} : memref<200x128xi32, #tpu.memory_space<vmem>>, vector<1x16xi32>,
        %get3A_271 = vector.shape_cast %get3A_270 : vector<1x16xi32> to vector<16xi32>
        %eq3A_272 = arith.constant 0 : i32
        %eq3A_273 = vector.broadcast %eq3A_272 : i32 to vector<16xi32>
        %eq3A_274 = arith.cmpi eq, %get3A_271, %eq3A_273 : vector<16xi32>
        %jit3A_275 = arith.constant 1 : i32
        %jit3A_276 = arith.constant 0 : i32
        %broadcast_in_dim3A_277 = vector.broadcast %jit3A_275 : i32 to vector<16xi32>
        %broadcast_in_dim3A_278 = vector.broadcast %jit3A_276 : i32 to vector<16xi32>
        %select_n3A_279 = arith.select %eq3A_274, %broadcast_in_dim3A_277, %broadcast_in_dim3A_278 : vector<16xi1>, vector<16xi32>
        %or3A_280 = arith.ori %scan3A_231, %select_n3A_279 : vector<16xi32>
        scf.yield %or3A_280 : vector<16xi32>
      }
      %scan3A_146 = arith.constant 100 : i32
      %broadcast_in_dim3A_147 = arith.constant 0 : i32
      %broadcast_in_dim3A_148 = vector.broadcast %broadcast_in_dim3A_147 : i32 to vector<16xi32>
      %swap3A_149 = arith.constant 16 : index
      %swap3A_150 = tpu.vector_load %arg8[%swap3A_149] {strides = array<i32>} : memref<32xi32, #tpu.memory_space<vmem>>, vector<16xi32>,
      %swap3A_151 = vector.shape_cast %swap3A_150 : vector<16xi32> to vector<16xi32>
      %swap3A_152 = vector.shape_cast %broadcast_in_dim3A_148 : vector<16xi32> to vector<16xi32>
      tpu.vector_store %arg8[%swap3A_149], %swap3A_152 {strides = array<i32>} : memref<32xi32, #tpu.memory_space<vmem>>, vector<16xi32>,
      %swap3A_153 = arith.constant 0 : index
      %swap3A_154 = tpu.vector_load %arg8[%swap3A_153] {strides = array<i32>} : memref<32xi32, #tpu.memory_space<vmem>>, vector<16xi32>,
      %swap3A_155 = vector.shape_cast %swap3A_154 : vector<16xi32> to vector<16xi32>
      %swap3A_156 = vector.shape_cast %scan3A_145 : vector<16xi32> to vector<16xi32>
      tpu.vector_store %arg8[%swap3A_153], %swap3A_156 {strides = array<i32>} : memref<32xi32, #tpu.memory_space<vmem>>, vector<16xi32>,
      %get3A_157 = arith.constant 0 : index
      %get3A_158 = tpu.vector_load %arg8[%get3A_157] {strides = array<i32>} : memref<32xi32, #tpu.memory_space<vmem>>, vector<16xi32>,
      %get3A_159 = vector.shape_cast %get3A_158 : vector<16xi32> to vector<16xi32>
      %get3A_160 = arith.constant 8 : index
      %get3A_161 = tpu.vector_load %arg8[%get3A_160] {strides = array<i32>} : memref<32xi32, #tpu.memory_space<vmem>>, vector<16xi32>,
      %get3A_162 = vector.shape_cast %get3A_161 : vector<16xi32> to vector<16xi32>
      %or3A_163 = arith.ori %get3A_159, %get3A_162 : vector<16xi32>
      %swap3A_164 = arith.constant 0 : index
      %swap3A_165 = tpu.vector_load %arg8[%swap3A_164] {strides = array<i32>} : memref<32xi32, #tpu.memory_space<vmem>>, vector<16xi32>,
      %swap3A_166 = vector.shape_cast %swap3A_165 : vector<16xi32> to vector<16xi32>
      %swap3A_167 = vector.shape_cast %or3A_163 : vector<16xi32> to vector<16xi32>
      tpu.vector_store %arg8[%swap3A_164], %swap3A_167 {strides = array<i32>} : memref<32xi32, #tpu.memory_space<vmem>>, vector<16xi32>,
      %get3A_168 = arith.constant 0 : index
      %get3A_169 = tpu.vector_load %arg8[%get3A_168] {strides = array<i32>} : memref<32xi32, #tpu.memory_space<vmem>>, vector<16xi32>,
      %get3A_170 = vector.shape_cast %get3A_169 : vector<16xi32> to vector<16xi32>
      %get3A_171 = arith.constant 4 : index
      %get3A_172 = tpu.vector_load %arg8[%get3A_171] {strides = array<i32>} : memref<32xi32, #tpu.memory_space<vmem>>, vector<16xi32>,
      %get3A_173 = vector.shape_cast %get3A_172 : vector<16xi32> to vector<16xi32>
      %or3A_174 = arith.ori %get3A_170, %get3A_173 : vector<16xi32>
      %swap3A_175 = arith.constant 0 : index
      %swap3A_176 = tpu.vector_load %arg8[%swap3A_175] {strides = array<i32>} : memref<32xi32, #tpu.memory_space<vmem>>, vector<16xi32>,
      %swap3A_177 = vector.shape_cast %swap3A_176 : vector<16xi32> to vector<16xi32>
      %swap3A_178 = vector.shape_cast %or3A_174 : vector<16xi32> to vector<16xi32>
      tpu.vector_store %arg8[%swap3A_175], %swap3A_178 {strides = array<i32>} : memref<32xi32, #tpu.memory_space<vmem>>, vector<16xi32>,
      %get3A_179 = arith.constant 0 : index
      %get3A_180 = tpu.vector_load %arg8[%get3A_179] {strides = array<i32>} : memref<32xi32, #tpu.memory_space<vmem>>, vector<16xi32>,
      %get3A_181 = vector.shape_cast %get3A_180 : vector<16xi32> to vector<16xi32>
      %get3A_182 = arith.constant 2 : index
      %get3A_183 = tpu.vector_load %arg8[%get3A_182] {strides = array<i32>} : memref<32xi32, #tpu.memory_space<vmem>>, vector<16xi32>,
      %get3A_184 = vector.shape_cast %get3A_183 : vector<16xi32> to vector<16xi32>
      %or3A_185 = arith.ori %get3A_181, %get3A_184 : vector<16xi32>
      %swap3A_186 = arith.constant 0 : index
      %swap3A_187 = tpu.vector_load %arg8[%swap3A_186] {strides = array<i32>} : memref<32xi32, #tpu.memory_space<vmem>>, vector<16xi32>,
      %swap3A_188 = vector.shape_cast %swap3A_187 : vector<16xi32> to vector<16xi32>
      %swap3A_189 = vector.shape_cast %or3A_185 : vector<16xi32> to vector<16xi32>
      tpu.vector_store %arg8[%swap3A_186], %swap3A_189 {strides = array<i32>} : memref<32xi32, #tpu.memory_space<vmem>>, vector<16xi32>,
      %get3A_190 = arith.constant 0 : index
      %get3A_191 = tpu.vector_load %arg8[%get3A_190] {strides = array<i32>} : memref<32xi32, #tpu.memory_space<vmem>>, vector<16xi32>,
      %get3A_192 = vector.shape_cast %get3A_191 : vector<16xi32> to vector<16xi32>
      %get3A_193 = arith.constant 1 : index
      %get3A_194 = tpu.vector_load %arg8[%get3A_193] {strides = array<i32>} : memref<32xi32, #tpu.memory_space<vmem>>, vector<16xi32>,
      %get3A_195 = vector.shape_cast %get3A_194 : vector<16xi32> to vector<16xi32>
      %or3A_196 = arith.ori %get3A_192, %get3A_195 : vector<16xi32>
      %swap3A_197 = arith.constant 0 : index
      %swap3A_198 = tpu.vector_load %arg8[%swap3A_197] {strides = array<i32>} : memref<32xi32, #tpu.memory_space<vmem>>, vector<16xi32>,
      %swap3A_199 = vector.shape_cast %swap3A_198 : vector<16xi32> to vector<16xi32>
      %swap3A_200 = vector.shape_cast %or3A_196 : vector<16xi32> to vector<16xi32>
      tpu.vector_store %arg8[%swap3A_197], %swap3A_200 {strides = array<i32>} : memref<32xi32, #tpu.memory_space<vmem>>, vector<16xi32>,
      %get3A_201 = arith.constant 0 : index
      %get3A_202 = tpu.vector_load %arg8[%get3A_201] {strides = array<i32>} : memref<32xi32, #tpu.memory_space<vmem>>, vector<16xi32>,
      %get3A_203 = vector.shape_cast %get3A_202 : vector<16xi32> to vector<16xi32>
      %slice3A_204 = vector.extract_strided_slice %get3A_203 {offsets = [0], sizes = [1], strides = [1]} : vector<16xi32> to vector<1xi32>
      %squeeze3A_205 = vector.extract %slice3A_204[0] : i32 from vector<1xi32>
      %gt3A_206 = arith.constant 0 : i32
      %gt3A_207 = arith.cmpi sgt, %squeeze3A_205, %gt3A_206 : i32
      %dma_wait3A_208 = arith.constant 1 : i32
      %dma_wait3A_209 = arith.constant 0 : i32
      %dma_wait3A_210 = arith.constant 0 : i32
      %dma_wait3A_211 = tpu.memref_slice %arg3[%dma_wait3A_209, %dma_wait3A_210] : memref<1000000x32xf32, #tpu.memory_space<hbm>> -> memref<1600x32xf32, #tpu.memory_space<hbm>>
      %dma_wait3A_212 = tpu.memref_slice %arg9[%dma_wait3A_208] : memref<2x!tpu.dma_semaphore, #tpu.memory_space<semaphore_mem>> -> memref<1x!tpu.dma_semaphore, #tpu.memory_space<semaphore_mem>>
      %dma_wait3A_213 = tpu.memref_squeeze %dma_wait3A_212 : memref<1x!tpu.dma_semaphore, #tpu.memory_space<semaphore_mem>> -> memref<!tpu.dma_semaphore, #tpu.memory_space<semaphore_mem>>
      %dma_wait3A_214 = arith.constant 0 : i32
      %dma_wait3A_215 = arith.constant 0 : i32
      %dma_wait3A_216 = tpu.memref_slice %arg3[%dma_wait3A_214, %dma_wait3A_215] : memref<1000000x32xf32, #tpu.memory_space<hbm>> -> memref<1600x32xf32, #tpu.memory_space<hbm>>
      tpu.wait_dma2 semaphore(%dma_wait3A_213 : memref<!tpu.dma_semaphore, #tpu.memory_space<semaphore_mem>>) src(%dma_wait3A_216 : memref<1600x32xf32, #tpu.memory_space<hbm>>) dst(%arg7 : memref<1600x32xf32, #tpu.memory_space<vmem>>)
      %convert_element_type3A_217 = arith.extui %gt3A_207 : i1 to i32
      %cond3A_218 = arith.constant 0 : i32
      %cond3A_219 = arith.cmpi ne, %convert_element_type3A_217, %cond3A_218 : i32
      scf.if %cond3A_219 {
        %scan3A_230 = arith.constant 0 : i32
        %scan3A_231 = arith.constant 0 : i32
        %scan3A_232 = arith.constant 100 : i32
        %scan3A_233 = arith.addi %scan3A_231, %scan3A_232 : i32
        %scan3A_234 = arith.constant 1 : i32
        scf.for %scan3A_236 = %scan3A_231 to %scan3A_233 step %scan3A_234  : i32 {
          %mul3A_237 = arith.constant 100 : i32
          %mul3A_238 = arith.muli %add3A_138, %mul3A_237 : i32
          %add3A_239 = arith.addi %mul3A_238, %scan3A_236 : i32
          %jit3A = arith.constant 8 : i32
          %div3A = arith.divsi %add3A_239, %jit3A : i32
          %sign3A = arith.constant 0 : i32
          %sign3A_240 = arith.cmpi sgt, %add3A_239, %sign3A : i32
          %sign3A_241 = arith.extui %sign3A_240 : i1 to i32
          %sign3A_242 = arith.constant 0 : i32
          %sign3A_243 = arith.cmpi slt, %add3A_239, %sign3A_242 : i32
          %sign3A_244 = arith.extui %sign3A_243 : i1 to i32
          %sign3A_245 = arith.subi %sign3A_241, %sign3A_244 : i32
          %sign3A_246 = arith.constant 0 : i32
          %sign3A_247 = arith.cmpi sgt, %jit3A, %sign3A_246 : i32
          %sign3A_248 = arith.extui %sign3A_247 : i1 to i32
          %sign3A_249 = arith.constant 0 : i32
          %sign3A_250 = arith.cmpi slt, %jit3A, %sign3A_249 : i32
          %sign3A_251 = arith.extui %sign3A_250 : i1 to i32
          %sign3A_252 = arith.subi %sign3A_248, %sign3A_251 : i32
          %ne3A = arith.cmpi ne, %sign3A_245, %sign3A_252 : i32
          %rem3A = arith.remsi %add3A_239, %jit3A : i32
          %ne3A_253 = arith.constant 0 : i32
          %ne3A_254 = arith.cmpi ne, %rem3A, %ne3A_253 : i32
          %and3A = arith.andi %ne3A, %ne3A_254 : i1
          %sub3A = arith.constant 1 : i32
          %sub3A_255 = arith.subi %div3A, %sub3A : i32
          %select_n3A = arith.select %and3A, %sub3A_255, %div3A : i32
          %jit3A_256 = arith.constant 8 : i32
          %eq3A = arith.constant 0 : i32
          %eq3A_257 = arith.cmpi eq, %jit3A_256, %eq3A : i32
          %jit3A_258 = arith.constant 1 : i32
          %select_n3A_259 = arith.select %eq3A_257, %jit3A_258, %jit3A_256 : i32
          %rem3A_260 = arith.remsi %add3A_239, %select_n3A_259 : i32
          %ne3A_261 = arith.constant 0 : i32
          %ne3A_262 = arith.cmpi ne, %rem3A_260, %ne3A_261 : i32
          %lt3A_263 = arith.constant 0 : i32
          %lt3A_264 = arith.cmpi slt, %rem3A_260, %lt3A_263 : i32
          %lt3A_265 = arith.constant 0 : i32
          %lt3A_266 = arith.cmpi slt, %select_n3A_259, %lt3A_265 : i32
          %ne3A_267 = arith.xori %lt3A_264, %lt3A_266 : i1
          %and3A_268 = arith.andi %ne3A_267, %ne3A_262 : i1
          %add3A_269 = arith.addi %rem3A_260, %select_n3A_259 : i32
          %select_n3A_270 = arith.select %and3A_268, %add3A_269, %rem3A_260 : i32
          %mul3A_271 = arith.constant 16 : i32
          %mul3A_272 = arith.muli %select_n3A_270, %mul3A_271 : i32
          %get3A_273 = arith.index_cast %select_n3A : i32 to index
          %get3A_274 = arith.index_cast %mul3A_272 : i32 to index
          %get3A_275 = tpu.vector_load %arg5[%get3A_273, %get3A_274] {strides = array<i32>} : memref<200x128xi32, #tpu.memory_space<vmem>>, vector<1x16xi32>,
          %get3A_276 = vector.shape_cast %get3A_275 : vector<1x16xi32> to vector<16xi32>
          %slice3A_277 = vector.extract_strided_slice %get3A_276 {offsets = [0], sizes = [1], strides = [1]} : vector<16xi32> to vector<1xi32>
          %squeeze3A_278 = vector.extract %slice3A_277[0] : i32 from vector<1xi32>
          %eq3A_279 = arith.constant 0 : i32
          %eq3A_280 = arith.cmpi eq, %squeeze3A_278, %eq3A_279 : i32
          %convert_element_type3A_281 = arith.extui %eq3A_280 : i1 to i32
          %cond3A_282 = arith.constant 0 : i32
          %cond3A_283 = arith.cmpi ne, %convert_element_type3A_281, %cond3A_282 : i32
          scf.if %cond3A_283 {
            %mul3A_389 = arith.constant 16 : i32
            %mul3A_390 = arith.muli %scan3A_236, %mul3A_389 : i32
            %add3A_391 = arith.constant 0 : i32
            %add3A_392 = arith.addi %mul3A_390, %add3A_391 : i32
            %swap3A_393 = arith.index_cast %add3A_392 : i32 to index
            %swap3A_394 = arith.constant 0 : index
            %swap3A_395 = tpu.vector_load %arg7[%swap3A_393, %swap3A_394] {strides = array<i32>} : memref<1600x32xf32, #tpu.memory_space<vmem>>, vector<1x16xf32>,
            %swap3A_396 = vector.shape_cast %swap3A_395 : vector<1x16xf32> to vector<16xf32>
            %swap3A_397 = vector.shape_cast %broadcast_in_dim3A_5 : vector<16xf32> to vector<1x16xf32>
            tpu.vector_store %arg7[%swap3A_393, %swap3A_394], %swap3A_397 {strides = array<i32>} : memref<1600x32xf32, #tpu.memory_space<vmem>>, vector<1x16xf32>,
            %swap3A_398 = arith.index_cast %add3A_392 : i32 to index
            %swap3A_399 = arith.constant 16 : index
            %swap3A_400 = tpu.vector_load %arg7[%swap3A_398, %swap3A_399] {strides = array<i32>} : memref<1600x32xf32, #tpu.memory_space<vmem>>, vector<1x16xf32>,
            %swap3A_401 = vector.shape_cast %swap3A_400 : vector<1x16xf32> to vector<16xf32>
            %swap3A_402 = vector.shape_cast %broadcast_in_dim3A_5 : vector<16xf32> to vector<1x16xf32>
            tpu.vector_store %arg7[%swap3A_398, %swap3A_399], %swap3A_402 {strides = array<i32>} : memref<1600x32xf32, #tpu.memory_space<vmem>>, vector<1x16xf32>,
          } else {
          }
          %slice3A_284 = vector.extract_strided_slice %get3A_276 {offsets = [1], sizes = [1], strides = [1]} : vector<16xi32> to vector<1xi32>
          %squeeze3A_285 = vector.extract %slice3A_284[0] : i32 from vector<1xi32>
          %eq3A_286 = arith.constant 0 : i32
          %eq3A_287 = arith.cmpi eq, %squeeze3A_285, %eq3A_286 : i32
          %convert_element_type3A_288 = arith.extui %eq3A_287 : i1 to i32
          %cond3A_289 = arith.constant 0 : i32
          %cond3A_290 = arith.cmpi ne, %convert_element_type3A_288, %cond3A_289 : i32
          scf.if %cond3A_290 {
            %mul3A_389 = arith.constant 16 : i32
            %mul3A_390 = arith.muli %scan3A_236, %mul3A_389 : i32
            %add3A_391 = arith.constant 1 : i32
            %add3A_392 = arith.addi %mul3A_390, %add3A_391 : i32
            %swap3A_393 = arith.index_cast %add3A_392 : i32 to index
            %swap3A_394 = arith.constant 0 : index
            %swap3A_395 = tpu.vector_load %arg7[%swap3A_393, %swap3A_394] {strides = array<i32>} : memref<1600x32xf32, #tpu.memory_space<vmem>>, vector<1x16xf32>,
            %swap3A_396 = vector.shape_cast %swap3A_395 : vector<1x16xf32> to vector<16xf32>
            %swap3A_397 = vector.shape_cast %broadcast_in_dim3A_5 : vector<16xf32> to vector<1x16xf32>
            tpu.vector_store %arg7[%swap3A_393, %swap3A_394], %swap3A_397 {strides = array<i32>} : memref<1600x32xf32, #tpu.memory_space<vmem>>, vector<1x16xf32>,
            %swap3A_398 = arith.index_cast %add3A_392 : i32 to index
            %swap3A_399 = arith.constant 16 : index
            %swap3A_400 = tpu.vector_load %arg7[%swap3A_398, %swap3A_399] {strides = array<i32>} : memref<1600x32xf32, #tpu.memory_space<vmem>>, vector<1x16xf32>,
            %swap3A_401 = vector.shape_cast %swap3A_400 : vector<1x16xf32> to vector<16xf32>
            %swap3A_402 = vector.shape_cast %broadcast_in_dim3A_5 : vector<16xf32> to vector<1x16xf32>
            tpu.vector_store %arg7[%swap3A_398, %swap3A_399], %swap3A_402 {strides = array<i32>} : memref<1600x32xf32, #tpu.memory_space<vmem>>, vector<1x16xf32>,
          } else {
          }
          %slice3A_291 = vector.extract_strided_slice %get3A_276 {offsets = [2], sizes = [1], strides = [1]} : vector<16xi32> to vector<1xi32>
          %squeeze3A_292 = vector.extract %slice3A_291[0] : i32 from vector<1xi32>
          %eq3A_293 = arith.constant 0 : i32
          %eq3A_294 = arith.cmpi eq, %squeeze3A_292, %eq3A_293 : i32
          %convert_element_type3A_295 = arith.extui %eq3A_294 : i1 to i32
          %cond3A_296 = arith.constant 0 : i32
          %cond3A_297 = arith.cmpi ne, %convert_element_type3A_295, %cond3A_296 : i32
          scf.if %cond3A_297 {
            %mul3A_389 = arith.constant 16 : i32
            %mul3A_390 = arith.muli %scan3A_236, %mul3A_389 : i32
            %add3A_391 = arith.constant 2 : i32
            %add3A_392 = arith.addi %mul3A_390, %add3A_391 : i32
            %swap3A_393 = arith.index_cast %add3A_392 : i32 to index
            %swap3A_394 = arith.constant 0 : index
            %swap3A_395 = tpu.vector_load %arg7[%swap3A_393, %swap3A_394] {strides = array<i32>} : memref<1600x32xf32, #tpu.memory_space<vmem>>, vector<1x16xf32>,
            %swap3A_396 = vector.shape_cast %swap3A_395 : vector<1x16xf32> to vector<16xf32>
            %swap3A_397 = vector.shape_cast %broadcast_in_dim3A_5 : vector<16xf32> to vector<1x16xf32>
            tpu.vector_store %arg7[%swap3A_393, %swap3A_394], %swap3A_397 {strides = array<i32>} : memref<1600x32xf32, #tpu.memory_space<vmem>>, vector<1x16xf32>,
            %swap3A_398 = arith.index_cast %add3A_392 : i32 to index
            %swap3A_399 = arith.constant 16 : index
            %swap3A_400 = tpu.vector_load %arg7[%swap3A_398, %swap3A_399] {strides = array<i32>} : memref<1600x32xf32, #tpu.memory_space<vmem>>, vector<1x16xf32>,
            %swap3A_401 = vector.shape_cast %swap3A_400 : vector<1x16xf32> to vector<16xf32>
            %swap3A_402 = vector.shape_cast %broadcast_in_dim3A_5 : vector<16xf32> to vector<1x16xf32>
            tpu.vector_store %arg7[%swap3A_398, %swap3A_399], %swap3A_402 {strides = array<i32>} : memref<1600x32xf32, #tpu.memory_space<vmem>>, vector<1x16xf32>,
          } else {
          }
          %slice3A_298 = vector.extract_strided_slice %get3A_276 {offsets = [3], sizes = [1], strides = [1]} : vector<16xi32> to vector<1xi32>
          %squeeze3A_299 = vector.extract %slice3A_298[0] : i32 from vector<1xi32>
          %eq3A_300 = arith.constant 0 : i32
          %eq3A_301 = arith.cmpi eq, %squeeze3A_299, %eq3A_300 : i32
          %convert_element_type3A_302 = arith.extui %eq3A_301 : i1 to i32
          %cond3A_303 = arith.constant 0 : i32
          %cond3A_304 = arith.cmpi ne, %convert_element_type3A_302, %cond3A_303 : i32
          scf.if %cond3A_304 {
            %mul3A_389 = arith.constant 16 : i32
            %mul3A_390 = arith.muli %scan3A_236, %mul3A_389 : i32
            %add3A_391 = arith.constant 3 : i32
            %add3A_392 = arith.addi %mul3A_390, %add3A_391 : i32
            %swap3A_393 = arith.index_cast %add3A_392 : i32 to index
            %swap3A_394 = arith.constant 0 : index
            %swap3A_395 = tpu.vector_load %arg7[%swap3A_393, %swap3A_394] {strides = array<i32>} : memref<1600x32xf32, #tpu.memory_space<vmem>>, vector<1x16xf32>,
            %swap3A_396 = vector.shape_cast %swap3A_395 : vector<1x16xf32> to vector<16xf32>
            %swap3A_397 = vector.shape_cast %broadcast_in_dim3A_5 : vector<16xf32> to vector<1x16xf32>
            tpu.vector_store %arg7[%swap3A_393, %swap3A_394], %swap3A_397 {strides = array<i32>} : memref<1600x32xf32, #tpu.memory_space<vmem>>, vector<1x16xf32>,
            %swap3A_398 = arith.index_cast %add3A_392 : i32 to index
            %swap3A_399 = arith.constant 16 : index
            %swap3A_400 = tpu.vector_load %arg7[%swap3A_398, %swap3A_399] {strides = array<i32>} : memref<1600x32xf32, #tpu.memory_space<vmem>>, vector<1x16xf32>,
            %swap3A_401 = vector.shape_cast %swap3A_400 : vector<1x16xf32> to vector<16xf32>
            %swap3A_402 = vector.shape_cast %broadcast_in_dim3A_5 : vector<16xf32> to vector<1x16xf32>
            tpu.vector_store %arg7[%swap3A_398, %swap3A_399], %swap3A_402 {strides = array<i32>} : memref<1600x32xf32, #tpu.memory_space<vmem>>, vector<1x16xf32>,
          } else {
          }
          %slice3A_305 = vector.extract_strided_slice %get3A_276 {offsets = [4], sizes = [1], strides = [1]} : vector<16xi32> to vector<1xi32>
          %squeeze3A_306 = vector.extract %slice3A_305[0] : i32 from vector<1xi32>
          %eq3A_307 = arith.constant 0 : i32
          %eq3A_308 = arith.cmpi eq, %squeeze3A_306, %eq3A_307 : i32
          %convert_element_type3A_309 = arith.extui %eq3A_308 : i1 to i32
          %cond3A_310 = arith.constant 0 : i32
          %cond3A_311 = arith.cmpi ne, %convert_element_type3A_309, %cond3A_310 : i32
          scf.if %cond3A_311 {
            %mul3A_389 = arith.constant 16 : i32
            %mul3A_390 = arith.muli %scan3A_236, %mul3A_389 : i32
            %add3A_391 = arith.constant 4 : i32
            %add3A_392 = arith.addi %mul3A_390, %add3A_391 : i32
            %swap3A_393 = arith.index_cast %add3A_392 : i32 to index
            %swap3A_394 = arith.constant 0 : index
            %swap3A_395 = tpu.vector_load %arg7[%swap3A_393, %swap3A_394] {strides = array<i32>} : memref<1600x32xf32, #tpu.memory_space<vmem>>, vector<1x16xf32>,
            %swap3A_396 = vector.shape_cast %swap3A_395 : vector<1x16xf32> to vector<16xf32>
            %swap3A_397 = vector.shape_cast %broadcast_in_dim3A_5 : vector<16xf32> to vector<1x16xf32>
            tpu.vector_store %arg7[%swap3A_393, %swap3A_394], %swap3A_397 {strides = array<i32>} : memref<1600x32xf32, #tpu.memory_space<vmem>>, vector<1x16xf32>,
            %swap3A_398 = arith.index_cast %add3A_392 : i32 to index
            %swap3A_399 = arith.constant 16 : index
            %swap3A_400 = tpu.vector_load %arg7[%swap3A_398, %swap3A_399] {strides = array<i32>} : memref<1600x32xf32, #tpu.memory_space<vmem>>, vector<1x16xf32>,
            %swap3A_401 = vector.shape_cast %swap3A_400 : vector<1x16xf32> to vector<16xf32>
            %swap3A_402 = vector.shape_cast %broadcast_in_dim3A_5 : vector<16xf32> to vector<1x16xf32>
            tpu.vector_store %arg7[%swap3A_398, %swap3A_399], %swap3A_402 {strides = array<i32>} : memref<1600x32xf32, #tpu.memory_space<vmem>>, vector<1x16xf32>,
          } else {
          }
          %slice3A_312 = vector.extract_strided_slice %get3A_276 {offsets = [5], sizes = [1], strides = [1]} : vector<16xi32> to vector<1xi32>
          %squeeze3A_313 = vector.extract %slice3A_312[0] : i32 from vector<1xi32>
          %eq3A_314 = arith.constant 0 : i32
          %eq3A_315 = arith.cmpi eq, %squeeze3A_313, %eq3A_314 : i32
          %convert_element_type3A_316 = arith.extui %eq3A_315 : i1 to i32
          %cond3A_317 = arith.constant 0 : i32
          %cond3A_318 = arith.cmpi ne, %convert_element_type3A_316, %cond3A_317 : i32
          scf.if %cond3A_318 {
            %mul3A_389 = arith.constant 16 : i32
            %mul3A_390 = arith.muli %scan3A_236, %mul3A_389 : i32
            %add3A_391 = arith.constant 5 : i32
            %add3A_392 = arith.addi %mul3A_390, %add3A_391 : i32
            %swap3A_393 = arith.index_cast %add3A_392 : i32 to index
            %swap3A_394 = arith.constant 0 : index
            %swap3A_395 = tpu.vector_load %arg7[%swap3A_393, %swap3A_394] {strides = array<i32>} : memref<1600x32xf32, #tpu.memory_space<vmem>>, vector<1x16xf32>,
            %swap3A_396 = vector.shape_cast %swap3A_395 : vector<1x16xf32> to vector<16xf32>
            %swap3A_397 = vector.shape_cast %broadcast_in_dim3A_5 : vector<16xf32> to vector<1x16xf32>
            tpu.vector_store %arg7[%swap3A_393, %swap3A_394], %swap3A_397 {strides = array<i32>} : memref<1600x32xf32, #tpu.memory_space<vmem>>, vector<1x16xf32>,
            %swap3A_398 = arith.index_cast %add3A_392 : i32 to index
            %swap3A_399 = arith.constant 16 : index
            %swap3A_400 = tpu.vector_load %arg7[%swap3A_398, %swap3A_399] {strides = array<i32>} : memref<1600x32xf32, #tpu.memory_space<vmem>>, vector<1x16xf32>,
            %swap3A_401 = vector.shape_cast %swap3A_400 : vector<1x16xf32> to vector<16xf32>
            %swap3A_402 = vector.shape_cast %broadcast_in_dim3A_5 : vector<16xf32> to vector<1x16xf32>
            tpu.vector_store %arg7[%swap3A_398, %swap3A_399], %swap3A_402 {strides = array<i32>} : memref<1600x32xf32, #tpu.memory_space<vmem>>, vector<1x16xf32>,
          } else {
          }
          %slice3A_319 = vector.extract_strided_slice %get3A_276 {offsets = [6], sizes = [1], strides = [1]} : vector<16xi32> to vector<1xi32>
          %squeeze3A_320 = vector.extract %slice3A_319[0] : i32 from vector<1xi32>
          %eq3A_321 = arith.constant 0 : i32
          %eq3A_322 = arith.cmpi eq, %squeeze3A_320, %eq3A_321 : i32
          %convert_element_type3A_323 = arith.extui %eq3A_322 : i1 to i32
          %cond3A_324 = arith.constant 0 : i32
          %cond3A_325 = arith.cmpi ne, %convert_element_type3A_323, %cond3A_324 : i32
          scf.if %cond3A_325 {
            %mul3A_389 = arith.constant 16 : i32
            %mul3A_390 = arith.muli %scan3A_236, %mul3A_389 : i32
            %add3A_391 = arith.constant 6 : i32
            %add3A_392 = arith.addi %mul3A_390, %add3A_391 : i32
            %swap3A_393 = arith.index_cast %add3A_392 : i32 to index
            %swap3A_394 = arith.constant 0 : index
            %swap3A_395 = tpu.vector_load %arg7[%swap3A_393, %swap3A_394] {strides = array<i32>} : memref<1600x32xf32, #tpu.memory_space<vmem>>, vector<1x16xf32>,
            %swap3A_396 = vector.shape_cast %swap3A_395 : vector<1x16xf32> to vector<16xf32>
            %swap3A_397 = vector.shape_cast %broadcast_in_dim3A_5 : vector<16xf32> to vector<1x16xf32>
            tpu.vector_store %arg7[%swap3A_393, %swap3A_394], %swap3A_397 {strides = array<i32>} : memref<1600x32xf32, #tpu.memory_space<vmem>>, vector<1x16xf32>,
            %swap3A_398 = arith.index_cast %add3A_392 : i32 to index
            %swap3A_399 = arith.constant 16 : index
            %swap3A_400 = tpu.vector_load %arg7[%swap3A_398, %swap3A_399] {strides = array<i32>} : memref<1600x32xf32, #tpu.memory_space<vmem>>, vector<1x16xf32>,
            %swap3A_401 = vector.shape_cast %swap3A_400 : vector<1x16xf32> to vector<16xf32>
            %swap3A_402 = vector.shape_cast %broadcast_in_dim3A_5 : vector<16xf32> to vector<1x16xf32>
            tpu.vector_store %arg7[%swap3A_398, %swap3A_399], %swap3A_402 {strides = array<i32>} : memref<1600x32xf32, #tpu.memory_space<vmem>>, vector<1x16xf32>,
          } else {
          }
          %slice3A_326 = vector.extract_strided_slice %get3A_276 {offsets = [7], sizes = [1], strides = [1]} : vector<16xi32> to vector<1xi32>
          %squeeze3A_327 = vector.extract %slice3A_326[0] : i32 from vector<1xi32>
          %eq3A_328 = arith.constant 0 : i32
          %eq3A_329 = arith.cmpi eq, %squeeze3A_327, %eq3A_328 : i32
          %convert_element_type3A_330 = arith.extui %eq3A_329 : i1 to i32
          %cond3A_331 = arith.constant 0 : i32
          %cond3A_332 = arith.cmpi ne, %convert_element_type3A_330, %cond3A_331 : i32
          scf.if %cond3A_332 {
            %mul3A_389 = arith.constant 16 : i32
            %mul3A_390 = arith.muli %scan3A_236, %mul3A_389 : i32
            %add3A_391 = arith.constant 7 : i32
            %add3A_392 = arith.addi %mul3A_390, %add3A_391 : i32
            %swap3A_393 = arith.index_cast %add3A_392 : i32 to index
            %swap3A_394 = arith.constant 0 : index
            %swap3A_395 = tpu.vector_load %arg7[%swap3A_393, %swap3A_394] {strides = array<i32>} : memref<1600x32xf32, #tpu.memory_space<vmem>>, vector<1x16xf32>,
            %swap3A_396 = vector.shape_cast %swap3A_395 : vector<1x16xf32> to vector<16xf32>
            %swap3A_397 = vector.shape_cast %broadcast_in_dim3A_5 : vector<16xf32> to vector<1x16xf32>
            tpu.vector_store %arg7[%swap3A_393, %swap3A_394], %swap3A_397 {strides = array<i32>} : memref<1600x32xf32, #tpu.memory_space<vmem>>, vector<1x16xf32>,
            %swap3A_398 = arith.index_cast %add3A_392 : i32 to index
            %swap3A_399 = arith.constant 16 : index
            %swap3A_400 = tpu.vector_load %arg7[%swap3A_398, %swap3A_399] {strides = array<i32>} : memref<1600x32xf32, #tpu.memory_space<vmem>>, vector<1x16xf32>,
            %swap3A_401 = vector.shape_cast %swap3A_400 : vector<1x16xf32> to vector<16xf32>
            %swap3A_402 = vector.shape_cast %broadcast_in_dim3A_5 : vector<16xf32> to vector<1x16xf32>
            tpu.vector_store %arg7[%swap3A_398, %swap3A_399], %swap3A_402 {strides = array<i32>} : memref<1600x32xf32, #tpu.memory_space<vmem>>, vector<1x16xf32>,
          } else {
          }
          %slice3A_333 = vector.extract_strided_slice %get3A_276 {offsets = [8], sizes = [1], strides = [1]} : vector<16xi32> to vector<1xi32>
          %squeeze3A_334 = vector.extract %slice3A_333[0] : i32 from vector<1xi32>
          %eq3A_335 = arith.constant 0 : i32
          %eq3A_336 = arith.cmpi eq, %squeeze3A_334, %eq3A_335 : i32
          %convert_element_type3A_337 = arith.extui %eq3A_336 : i1 to i32
          %cond3A_338 = arith.constant 0 : i32
          %cond3A_339 = arith.cmpi ne, %convert_element_type3A_337, %cond3A_338 : i32
          scf.if %cond3A_339 {
            %mul3A_389 = arith.constant 16 : i32
            %mul3A_390 = arith.muli %scan3A_236, %mul3A_389 : i32
            %add3A_391 = arith.constant 8 : i32
            %add3A_392 = arith.addi %mul3A_390, %add3A_391 : i32
            %swap3A_393 = arith.index_cast %add3A_392 : i32 to index
            %swap3A_394 = arith.constant 0 : index
            %swap3A_395 = tpu.vector_load %arg7[%swap3A_393, %swap3A_394] {strides = array<i32>} : memref<1600x32xf32, #tpu.memory_space<vmem>>, vector<1x16xf32>,
            %swap3A_396 = vector.shape_cast %swap3A_395 : vector<1x16xf32> to vector<16xf32>
            %swap3A_397 = vector.shape_cast %broadcast_in_dim3A_5 : vector<16xf32> to vector<1x16xf32>
            tpu.vector_store %arg7[%swap3A_393, %swap3A_394], %swap3A_397 {strides = array<i32>} : memref<1600x32xf32, #tpu.memory_space<vmem>>, vector<1x16xf32>,
            %swap3A_398 = arith.index_cast %add3A_392 : i32 to index
            %swap3A_399 = arith.constant 16 : index
            %swap3A_400 = tpu.vector_load %arg7[%swap3A_398, %swap3A_399] {strides = array<i32>} : memref<1600x32xf32, #tpu.memory_space<vmem>>, vector<1x16xf32>,
            %swap3A_401 = vector.shape_cast %swap3A_400 : vector<1x16xf32> to vector<16xf32>
            %swap3A_402 = vector.shape_cast %broadcast_in_dim3A_5 : vector<16xf32> to vector<1x16xf32>
            tpu.vector_store %arg7[%swap3A_398, %swap3A_399], %swap3A_402 {strides = array<i32>} : memref<1600x32xf32, #tpu.memory_space<vmem>>, vector<1x16xf32>,
          } else {
          }
          %slice3A_340 = vector.extract_strided_slice %get3A_276 {offsets = [9], sizes = [1], strides = [1]} : vector<16xi32> to vector<1xi32>
          %squeeze3A_341 = vector.extract %slice3A_340[0] : i32 from vector<1xi32>
          %eq3A_342 = arith.constant 0 : i32
          %eq3A_343 = arith.cmpi eq, %squeeze3A_341, %eq3A_342 : i32
          %convert_element_type3A_344 = arith.extui %eq3A_343 : i1 to i32
          %cond3A_345 = arith.constant 0 : i32
          %cond3A_346 = arith.cmpi ne, %convert_element_type3A_344, %cond3A_345 : i32
          scf.if %cond3A_346 {
            %mul3A_389 = arith.constant 16 : i32
            %mul3A_390 = arith.muli %scan3A_236, %mul3A_389 : i32
            %add3A_391 = arith.constant 9 : i32
            %add3A_392 = arith.addi %mul3A_390, %add3A_391 : i32
            %swap3A_393 = arith.index_cast %add3A_392 : i32 to index
            %swap3A_394 = arith.constant 0 : index
            %swap3A_395 = tpu.vector_load %arg7[%swap3A_393, %swap3A_394] {strides = array<i32>} : memref<1600x32xf32, #tpu.memory_space<vmem>>, vector<1x16xf32>,
            %swap3A_396 = vector.shape_cast %swap3A_395 : vector<1x16xf32> to vector<16xf32>
            %swap3A_397 = vector.shape_cast %broadcast_in_dim3A_5 : vector<16xf32> to vector<1x16xf32>
            tpu.vector_store %arg7[%swap3A_393, %swap3A_394], %swap3A_397 {strides = array<i32>} : memref<1600x32xf32, #tpu.memory_space<vmem>>, vector<1x16xf32>,
            %swap3A_398 = arith.index_cast %add3A_392 : i32 to index
            %swap3A_399 = arith.constant 16 : index
            %swap3A_400 = tpu.vector_load %arg7[%swap3A_398, %swap3A_399] {strides = array<i32>} : memref<1600x32xf32, #tpu.memory_space<vmem>>, vector<1x16xf32>,
            %swap3A_401 = vector.shape_cast %swap3A_400 : vector<1x16xf32> to vector<16xf32>
            %swap3A_402 = vector.shape_cast %broadcast_in_dim3A_5 : vector<16xf32> to vector<1x16xf32>
            tpu.vector_store %arg7[%swap3A_398, %swap3A_399], %swap3A_402 {strides = array<i32>} : memref<1600x32xf32, #tpu.memory_space<vmem>>, vector<1x16xf32>,
          } else {
          }
          %slice3A_347 = vector.extract_strided_slice %get3A_276 {offsets = [10], sizes = [1], strides = [1]} : vector<16xi32> to vector<1xi32>
          %squeeze3A_348 = vector.extract %slice3A_347[0] : i32 from vector<1xi32>
          %eq3A_349 = arith.constant 0 : i32
          %eq3A_350 = arith.cmpi eq, %squeeze3A_348, %eq3A_349 : i32
          %convert_element_type3A_351 = arith.extui %eq3A_350 : i1 to i32
          %cond3A_352 = arith.constant 0 : i32
          %cond3A_353 = arith.cmpi ne, %convert_element_type3A_351, %cond3A_352 : i32
          scf.if %cond3A_353 {
            %mul3A_389 = arith.constant 16 : i32
            %mul3A_390 = arith.muli %scan3A_236, %mul3A_389 : i32
            %add3A_391 = arith.constant 10 : i32
            %add3A_392 = arith.addi %mul3A_390, %add3A_391 : i32
            %swap3A_393 = arith.index_cast %add3A_392 : i32 to index
            %swap3A_394 = arith.constant 0 : index
            %swap3A_395 = tpu.vector_load %arg7[%swap3A_393, %swap3A_394] {strides = array<i32>} : memref<1600x32xf32, #tpu.memory_space<vmem>>, vector<1x16xf32>,
            %swap3A_396 = vector.shape_cast %swap3A_395 : vector<1x16xf32> to vector<16xf32>
            %swap3A_397 = vector.shape_cast %broadcast_in_dim3A_5 : vector<16xf32> to vector<1x16xf32>
            tpu.vector_store %arg7[%swap3A_393, %swap3A_394], %swap3A_397 {strides = array<i32>} : memref<1600x32xf32, #tpu.memory_space<vmem>>, vector<1x16xf32>,
            %swap3A_398 = arith.index_cast %add3A_392 : i32 to index
            %swap3A_399 = arith.constant 16 : index
            %swap3A_400 = tpu.vector_load %arg7[%swap3A_398, %swap3A_399] {strides = array<i32>} : memref<1600x32xf32, #tpu.memory_space<vmem>>, vector<1x16xf32>,
            %swap3A_401 = vector.shape_cast %swap3A_400 : vector<1x16xf32> to vector<16xf32>
            %swap3A_402 = vector.shape_cast %broadcast_in_dim3A_5 : vector<16xf32> to vector<1x16xf32>
            tpu.vector_store %arg7[%swap3A_398, %swap3A_399], %swap3A_402 {strides = array<i32>} : memref<1600x32xf32, #tpu.memory_space<vmem>>, vector<1x16xf32>,
          } else {
          }
          %slice3A_354 = vector.extract_strided_slice %get3A_276 {offsets = [11], sizes = [1], strides = [1]} : vector<16xi32> to vector<1xi32>
          %squeeze3A_355 = vector.extract %slice3A_354[0] : i32 from vector<1xi32>
          %eq3A_356 = arith.constant 0 : i32
          %eq3A_357 = arith.cmpi eq, %squeeze3A_355, %eq3A_356 : i32
          %convert_element_type3A_358 = arith.extui %eq3A_357 : i1 to i32
          %cond3A_359 = arith.constant 0 : i32
          %cond3A_360 = arith.cmpi ne, %convert_element_type3A_358, %cond3A_359 : i32
          scf.if %cond3A_360 {
            %mul3A_389 = arith.constant 16 : i32
            %mul3A_390 = arith.muli %scan3A_236, %mul3A_389 : i32
            %add3A_391 = arith.constant 11 : i32
            %add3A_392 = arith.addi %mul3A_390, %add3A_391 : i32
            %swap3A_393 = arith.index_cast %add3A_392 : i32 to index
            %swap3A_394 = arith.constant 0 : index
            %swap3A_395 = tpu.vector_load %arg7[%swap3A_393, %swap3A_394] {strides = array<i32>} : memref<1600x32xf32, #tpu.memory_space<vmem>>, vector<1x16xf32>,
            %swap3A_396 = vector.shape_cast %swap3A_395 : vector<1x16xf32> to vector<16xf32>
            %swap3A_397 = vector.shape_cast %broadcast_in_dim3A_5 : vector<16xf32> to vector<1x16xf32>
            tpu.vector_store %arg7[%swap3A_393, %swap3A_394], %swap3A_397 {strides = array<i32>} : memref<1600x32xf32, #tpu.memory_space<vmem>>, vector<1x16xf32>,
            %swap3A_398 = arith.index_cast %add3A_392 : i32 to index
            %swap3A_399 = arith.constant 16 : index
            %swap3A_400 = tpu.vector_load %arg7[%swap3A_398, %swap3A_399] {strides = array<i32>} : memref<1600x32xf32, #tpu.memory_space<vmem>>, vector<1x16xf32>,
            %swap3A_401 = vector.shape_cast %swap3A_400 : vector<1x16xf32> to vector<16xf32>
            %swap3A_402 = vector.shape_cast %broadcast_in_dim3A_5 : vector<16xf32> to vector<1x16xf32>
            tpu.vector_store %arg7[%swap3A_398, %swap3A_399], %swap3A_402 {strides = array<i32>} : memref<1600x32xf32, #tpu.memory_space<vmem>>, vector<1x16xf32>,
          } else {
          }
          %slice3A_361 = vector.extract_strided_slice %get3A_276 {offsets = [12], sizes = [1], strides = [1]} : vector<16xi32> to vector<1xi32>
          %squeeze3A_362 = vector.extract %slice3A_361[0] : i32 from vector<1xi32>
          %eq3A_363 = arith.constant 0 : i32
          %eq3A_364 = arith.cmpi eq, %squeeze3A_362, %eq3A_363 : i32
          %convert_element_type3A_365 = arith.extui %eq3A_364 : i1 to i32
          %cond3A_366 = arith.constant 0 : i32
          %cond3A_367 = arith.cmpi ne, %convert_element_type3A_365, %cond3A_366 : i32
          scf.if %cond3A_367 {
            %mul3A_389 = arith.constant 16 : i32
            %mul3A_390 = arith.muli %scan3A_236, %mul3A_389 : i32
            %add3A_391 = arith.constant 12 : i32
            %add3A_392 = arith.addi %mul3A_390, %add3A_391 : i32
            %swap3A_393 = arith.index_cast %add3A_392 : i32 to index
            %swap3A_394 = arith.constant 0 : index
            %swap3A_395 = tpu.vector_load %arg7[%swap3A_393, %swap3A_394] {strides = array<i32>} : memref<1600x32xf32, #tpu.memory_space<vmem>>, vector<1x16xf32>,
            %swap3A_396 = vector.shape_cast %swap3A_395 : vector<1x16xf32> to vector<16xf32>
            %swap3A_397 = vector.shape_cast %broadcast_in_dim3A_5 : vector<16xf32> to vector<1x16xf32>
            tpu.vector_store %arg7[%swap3A_393, %swap3A_394], %swap3A_397 {strides = array<i32>} : memref<1600x32xf32, #tpu.memory_space<vmem>>, vector<1x16xf32>,
            %swap3A_398 = arith.index_cast %add3A_392 : i32 to index
            %swap3A_399 = arith.constant 16 : index
            %swap3A_400 = tpu.vector_load %arg7[%swap3A_398, %swap3A_399] {strides = array<i32>} : memref<1600x32xf32, #tpu.memory_space<vmem>>, vector<1x16xf32>,
            %swap3A_401 = vector.shape_cast %swap3A_400 : vector<1x16xf32> to vector<16xf32>
            %swap3A_402 = vector.shape_cast %broadcast_in_dim3A_5 : vector<16xf32> to vector<1x16xf32>
            tpu.vector_store %arg7[%swap3A_398, %swap3A_399], %swap3A_402 {strides = array<i32>} : memref<1600x32xf32, #tpu.memory_space<vmem>>, vector<1x16xf32>,
          } else {
          }
          %slice3A_368 = vector.extract_strided_slice %get3A_276 {offsets = [13], sizes = [1], strides = [1]} : vector<16xi32> to vector<1xi32>
          %squeeze3A_369 = vector.extract %slice3A_368[0] : i32 from vector<1xi32>
          %eq3A_370 = arith.constant 0 : i32
          %eq3A_371 = arith.cmpi eq, %squeeze3A_369, %eq3A_370 : i32
          %convert_element_type3A_372 = arith.extui %eq3A_371 : i1 to i32
          %cond3A_373 = arith.constant 0 : i32
          %cond3A_374 = arith.cmpi ne, %convert_element_type3A_372, %cond3A_373 : i32
          scf.if %cond3A_374 {
            %mul3A_389 = arith.constant 16 : i32
            %mul3A_390 = arith.muli %scan3A_236, %mul3A_389 : i32
            %add3A_391 = arith.constant 13 : i32
            %add3A_392 = arith.addi %mul3A_390, %add3A_391 : i32
            %swap3A_393 = arith.index_cast %add3A_392 : i32 to index
            %swap3A_394 = arith.constant 0 : index
            %swap3A_395 = tpu.vector_load %arg7[%swap3A_393, %swap3A_394] {strides = array<i32>} : memref<1600x32xf32, #tpu.memory_space<vmem>>, vector<1x16xf32>,
            %swap3A_396 = vector.shape_cast %swap3A_395 : vector<1x16xf32> to vector<16xf32>
            %swap3A_397 = vector.shape_cast %broadcast_in_dim3A_5 : vector<16xf32> to vector<1x16xf32>
            tpu.vector_store %arg7[%swap3A_393, %swap3A_394], %swap3A_397 {strides = array<i32>} : memref<1600x32xf32, #tpu.memory_space<vmem>>, vector<1x16xf32>,
            %swap3A_398 = arith.index_cast %add3A_392 : i32 to index
            %swap3A_399 = arith.constant 16 : index
            %swap3A_400 = tpu.vector_load %arg7[%swap3A_398, %swap3A_399] {strides = array<i32>} : memref<1600x32xf32, #tpu.memory_space<vmem>>, vector<1x16xf32>,
            %swap3A_401 = vector.shape_cast %swap3A_400 : vector<1x16xf32> to vector<16xf32>
            %swap3A_402 = vector.shape_cast %broadcast_in_dim3A_5 : vector<16xf32> to vector<1x16xf32>
            tpu.vector_store %arg7[%swap3A_398, %swap3A_399], %swap3A_402 {strides = array<i32>} : memref<1600x32xf32, #tpu.memory_space<vmem>>, vector<1x16xf32>,
          } else {
          }
          %slice3A_375 = vector.extract_strided_slice %get3A_276 {offsets = [14], sizes = [1], strides = [1]} : vector<16xi32> to vector<1xi32>
          %squeeze3A_376 = vector.extract %slice3A_375[0] : i32 from vector<1xi32>
          %eq3A_377 = arith.constant 0 : i32
          %eq3A_378 = arith.cmpi eq, %squeeze3A_376, %eq3A_377 : i32
          %convert_element_type3A_379 = arith.extui %eq3A_378 : i1 to i32
          %cond3A_380 = arith.constant 0 : i32
          %cond3A_381 = arith.cmpi ne, %convert_element_type3A_379, %cond3A_380 : i32
          scf.if %cond3A_381 {
            %mul3A_389 = arith.constant 16 : i32
            %mul3A_390 = arith.muli %scan3A_236, %mul3A_389 : i32
            %add3A_391 = arith.constant 14 : i32
            %add3A_392 = arith.addi %mul3A_390, %add3A_391 : i32
            %swap3A_393 = arith.index_cast %add3A_392 : i32 to index
            %swap3A_394 = arith.constant 0 : index
            %swap3A_395 = tpu.vector_load %arg7[%swap3A_393, %swap3A_394] {strides = array<i32>} : memref<1600x32xf32, #tpu.memory_space<vmem>>, vector<1x16xf32>,
            %swap3A_396 = vector.shape_cast %swap3A_395 : vector<1x16xf32> to vector<16xf32>
            %swap3A_397 = vector.shape_cast %broadcast_in_dim3A_5 : vector<16xf32> to vector<1x16xf32>
            tpu.vector_store %arg7[%swap3A_393, %swap3A_394], %swap3A_397 {strides = array<i32>} : memref<1600x32xf32, #tpu.memory_space<vmem>>, vector<1x16xf32>,
            %swap3A_398 = arith.index_cast %add3A_392 : i32 to index
            %swap3A_399 = arith.constant 16 : index
            %swap3A_400 = tpu.vector_load %arg7[%swap3A_398, %swap3A_399] {strides = array<i32>} : memref<1600x32xf32, #tpu.memory_space<vmem>>, vector<1x16xf32>,
            %swap3A_401 = vector.shape_cast %swap3A_400 : vector<1x16xf32> to vector<16xf32>
            %swap3A_402 = vector.shape_cast %broadcast_in_dim3A_5 : vector<16xf32> to vector<1x16xf32>
            tpu.vector_store %arg7[%swap3A_398, %swap3A_399], %swap3A_402 {strides = array<i32>} : memref<1600x32xf32, #tpu.memory_space<vmem>>, vector<1x16xf32>,
          } else {
          }
          %slice3A_382 = vector.extract_strided_slice %get3A_276 {offsets = [15], sizes = [1], strides = [1]} : vector<16xi32> to vector<1xi32>
          %squeeze3A_383 = vector.extract %slice3A_382[0] : i32 from vector<1xi32>
          %eq3A_384 = arith.constant 0 : i32
          %eq3A_385 = arith.cmpi eq, %squeeze3A_383, %eq3A_384 : i32
          %convert_element_type3A_386 = arith.extui %eq3A_385 : i1 to i32
          %cond3A_387 = arith.constant 0 : i32
          %cond3A_388 = arith.cmpi ne, %convert_element_type3A_386, %cond3A_387 : i32
          scf.if %cond3A_388 {
            %mul3A_389 = arith.constant 16 : i32
            %mul3A_390 = arith.muli %scan3A_236, %mul3A_389 : i32
            %add3A_391 = arith.constant 15 : i32
            %add3A_392 = arith.addi %mul3A_390, %add3A_391 : i32
            %swap3A_393 = arith.index_cast %add3A_392 : i32 to index
            %swap3A_394 = arith.constant 0 : index
            %swap3A_395 = tpu.vector_load %arg7[%swap3A_393, %swap3A_394] {strides = array<i32>} : memref<1600x32xf32, #tpu.memory_space<vmem>>, vector<1x16xf32>,
            %swap3A_396 = vector.shape_cast %swap3A_395 : vector<1x16xf32> to vector<16xf32>
            %swap3A_397 = vector.shape_cast %broadcast_in_dim3A_5 : vector<16xf32> to vector<1x16xf32>
            tpu.vector_store %arg7[%swap3A_393, %swap3A_394], %swap3A_397 {strides = array<i32>} : memref<1600x32xf32, #tpu.memory_space<vmem>>, vector<1x16xf32>,
            %swap3A_398 = arith.index_cast %add3A_392 : i32 to index
            %swap3A_399 = arith.constant 16 : index
            %swap3A_400 = tpu.vector_load %arg7[%swap3A_398, %swap3A_399] {strides = array<i32>} : memref<1600x32xf32, #tpu.memory_space<vmem>>, vector<1x16xf32>,
            %swap3A_401 = vector.shape_cast %swap3A_400 : vector<1x16xf32> to vector<16xf32>
            %swap3A_402 = vector.shape_cast %broadcast_in_dim3A_5 : vector<16xf32> to vector<1x16xf32>
            tpu.vector_store %arg7[%swap3A_398, %swap3A_399], %swap3A_402 {strides = array<i32>} : memref<1600x32xf32, #tpu.memory_space<vmem>>, vector<1x16xf32>,
          } else {
          }
        }
        %scan3A_235 = arith.constant 100 : i32
      } else {
      }
      %mul3A_220 = arith.constant 1600 : i32
      %mul3A_221 = arith.muli %add3A_138, %mul3A_220 : i32
      %add3A_222 = arith.addi %mul3A_4, %mul3A_221 : i32
      %dma_start3A_223 = arith.constant 1 : i32
      %dma_start3A_224 = arith.constant 0 : i32
      %dma_start3A_225 = tpu.memref_slice %arg4[%add3A_222, %dma_start3A_224] : memref<819200x32xf32, #tpu.memory_space<hbm>> -> memref<1600x32xf32, #tpu.memory_space<hbm>>
      %dma_start3A_226 = tpu.memref_slice %arg10[%dma_start3A_223] : memref<2x!tpu.dma_semaphore, #tpu.memory_space<semaphore_mem>> -> memref<1x!tpu.dma_semaphore, #tpu.memory_space<semaphore_mem>>
      %dma_start3A_227 = tpu.memref_squeeze %dma_start3A_226 : memref<1x!tpu.dma_semaphore, #tpu.memory_space<semaphore_mem>> -> memref<!tpu.dma_semaphore, #tpu.memory_space<semaphore_mem>>
      %dma_start3A_228 = arith.constant 0 : i32
      %dma_start3A_229 = tpu.memref_slice %arg4[%add3A_222, %dma_start3A_228] : memref<819200x32xf32, #tpu.memory_space<hbm>> -> memref<1600x32xf32, #tpu.memory_space<hbm>>
      tpu.enqueue_dma source(%arg7 : memref<1600x32xf32, #tpu.memory_space<vmem>>) target(%dma_start3A_229 : memref<1600x32xf32, #tpu.memory_space<hbm>>) target_semaphore(%dma_start3A_227 : memref<!tpu.dma_semaphore, #tpu.memory_space<semaphore_mem>>)
    }
    %scan3A_16 = arith.constant 8 : i32
    %add3A_17 = arith.constant 24000 : i32
    %add3A_18 = arith.addi %mul3A_4, %add3A_17 : i32
    %dma_wait3A = arith.constant 1 : i32
    %dma_wait3A_19 = arith.constant 0 : i32
    %dma_wait3A_20 = tpu.memref_slice %arg4[%add3A_18, %dma_wait3A_19] : memref<819200x32xf32, #tpu.memory_space<hbm>> -> memref<1600x32xf32, #tpu.memory_space<hbm>>
    %dma_wait3A_21 = tpu.memref_slice %arg10[%dma_wait3A] : memref<2x!tpu.dma_semaphore, #tpu.memory_space<semaphore_mem>> -> memref<1x!tpu.dma_semaphore, #tpu.memory_space<semaphore_mem>>
    %dma_wait3A_22 = tpu.memref_squeeze %dma_wait3A_21 : memref<1x!tpu.dma_semaphore, #tpu.memory_space<semaphore_mem>> -> memref<!tpu.dma_semaphore, #tpu.memory_space<semaphore_mem>>
    %dma_wait3A_23 = arith.constant 0 : i32
    %dma_wait3A_24 = tpu.memref_slice %arg4[%add3A_18, %dma_wait3A_23] : memref<819200x32xf32, #tpu.memory_space<hbm>> -> memref<1600x32xf32, #tpu.memory_space<hbm>>
    tpu.wait_dma2 semaphore(%dma_wait3A_22 : memref<!tpu.dma_semaphore, #tpu.memory_space<semaphore_mem>>) src(%arg7 : memref<1600x32xf32, #tpu.memory_space<vmem>>) dst(%dma_wait3A_24 : memref<1600x32xf32, #tpu.memory_space<hbm>>)
    return
  }
}

</mosaic_0001>

<sc_bundles>
// kernel: kernel.3.cloned.1.call-start
scs
__scs_entry_jumppad:
0x0: {  	(pc) =	sbr.rel $0x88, $3  }
0x1: {  	(tag) =	ssettag $0x0;
	lr =	simm.s32 $0x1  }
0x2: {  	[smem:$0x3F9F] =	sst lr;
	_ =	strace $0xD0000000  }
0x3: {  	_ = 	snop  }
0x4: {  	_ = 	snop  }
0x5: {  	_ = 	snop  }
0x6: {  	_ = 	snop  }
0x7: {  	_ = 	snop  }
__scs_overlays_trampoline_lowered:
0x8: {  	[smem:$0x3FAE] =	sst s0  }
0x9: {  	[smem:$0x3FAF] =	sst s1  }
0xa: {  	[smem:$0x3FB0] =	sst s2  }
0xb: {  	[smem:$0x3FB1] =	sst s3  }
0xc: {  	[smem:$0x3FB2] =	sst s4  }
0xd: {  	[smem:$0x3FB3] =	sst s5  }
0xe: {  	[smem:$0x3FB4] =	sst s6  }
0xf: {  	[smem:$0x3FB5] =	sst s7  }
0x10: {  	[smem:$0x3FB6] =	sst s8  }
0x11: {  	[smem:$0x3FB7] =	sst s9;
	s0 =	simm.s32 @!p0 $0x0  }
0x12: {  	s1 =	sld [smem:$0x3F9D];
	s0 =	simm.s32 @p0 $0x1  }
0x13: {  	[smem:$0x3FB8] =	sst s0;
	s0 =	simm.s32 @!p1 $0x0  }
0x14: {  	s2 =	sld [smem:$0x3F9C];
	s0 =	simm.s32 @p1 $0x1  }
0x15: {  	[smem:$0x3FB9] =	sst s0;
	s0 =	simm.s32 @!p2 $0x0  }
0x16: {  	s3 =	sld [smem:$0x3FDB];
	s0 =	simm.s32 @p2 $0x1  }
0x17: {  	s4 =	simm.s32 $0x1BF5;
	[smem:$0x3FBB] =	sst s0  }
0x18: {  	s0 =	sld [smem:$0x3F9E];
	_ =	swait.ge [sflag:s4], $0x0  }
0x19: {  	s7 =	sld [smem:$0x3F9F]  }
0x1a: {  	s8 =	sadd.s32 $0xFFFFE003, lr  }
0x1b: {  	s9 =	sadd.s32 $0xFFFFFEF7, lr;
	s5 =	simm.s32 $0xFFFFFFFF;
	p2 =	slt.u32 s8, $0xFFFFF086  }
0x1c: {  	p1 =	slt.u32 s9, $0xF7A;
	s5 =	simm.s32 @!p2 $0x0  }
0x1d: {  	s5 =	simm.s32 @p1 $0x1;
	p0 =	seq.s32 s7, s2  }
0x1e: {  	s7 =	smul.u32 @!p0 $0xF7A, s2;
	p2 =	seq.s32 @!p0 s5, $0x0  }
0x1f: {  	s9 =	smul.u32 $0xF7A, s1;
	s8 =	simm.s32 @!p0 $0x1BF5;
	p2 =	por !p2, p0  }
0x20: {  	[sflag:s8] =	ssyncset.s32 @!p0 $0xFFFFF086;
	s6 =	sadd.s32 @!p0 s3, s7;
	s7 =	simm.s32 @!p0 $0x108  }
0x21: {  	s3 =	sadd.s32 s3, s9;
	s6 =	sadd.s32 @!p0 $0x88, s6;
	s7 =	simm.s32 @p2 $0x1082  }
0x22: {  	[simem:s7], [sflag:s8] =	dma.local @!p0 [hbm:s6], $0xF7A  }
0x23: {  	s9 =	sor.u32 $0xD0000000, s2;
	s6 =	simm.s32 $0x108;
	_ =	swait.ge @!p0 [sflag:s8], $0x0  }
0x24: {  	s3 =	sadd.s32 $0x88, s3;
	s6 =	simm.s32 @!p1 $0x1082;
	[sflag:s4] =	ssyncset.s32 $0xFFFFF086  }
0x25: {  	[simem:s6], [sflag:s4] =	dma.local [hbm:s3], $0xF7A  }
0x26: {  	[smem:$0x3F9F] =	sst s1;
	(tag) =	ssettag s2;
	_ =	strace s9  }
0x27: {  	s1 =	sld [smem:$0x3FAF]  }
0x28: {  	s2 =	sld [smem:$0x3FB0]  }
0x29: {  	s4 =	sld [smem:$0x3FB2]  }
0x2a: {  	p0 =	seq.s32 s5, $0x0;
	s5 =	sld [smem:$0x3FB3]  }
0x2b: {  	s6 =	sld [smem:$0x3FB4]  }
0x2c: {  	s7 =	sld [smem:$0x3FB5]  }
0x2d: {  	s3 =	simm.s32 $0x108;
	s8 =	sld [smem:$0x3FB6]  }
0x2e: {  	s3 =	simm.s32 @!p0 $0x1082;
	s9 =	sld [smem:$0x3FB7]  }
0x2f: {  	lr =	sadd.s32 s0, s3;
	s0 =	sld [smem:$0x3FAE]  }
0x30: {  	s3 =	sld [smem:$0x3FB1]  }
0x31: {  	[smem:$0x3FBA] =	sst s10  }
0x32: {  	s10 =	sld [smem:$0x3FB8];
	_ =	sdelay $0x3  }
0x33: {  	p0 =	seq.s32 s10, $0x1;
	s10 =	sld [smem:$0x3FBA];
	_ =	sdelay $0x3  }
0x34: {  	[smem:$0x3FBA] =	sst s10  }
0x35: {  	s10 =	sld [smem:$0x3FB9];
	_ =	sdelay $0x3  }
0x36: {  	p1 =	seq.s32 s10, $0x1;
	s10 =	sld [smem:$0x3FBA];
	_ =	sdelay $0x3  }
0x37: {  	[smem:$0x3FBA] =	sst s10  }
0x38: {  	s10 =	sld [smem:$0x3FBB]  }
0x39: {  	_ = 	snop;
	(pc) =	sbr.ind lr, $3  }
0x3a: {  	_ = 	snop  }
0x3b: {  	_ = 	snop  }
0x3c: {  	p2 =	seq.s32 s10, $0x1;
	s10 =	sld [smem:$0x3FBA]  }
0x3d: {  	_ =	shalt  }
0x3e: {  	_ =	shalt  }
0x3f: {  	_ =	shalt  }
0x40: {  	_ =	shalt  }
0x41: {  	_ =	shalt  }
0x42: {  	_ =	shalt  }
0x43: {  	_ =	shalt  }
0x44: {  	_ =	shalt  }
0x45: {  	_ =	shalt  }
0x46: {  	_ =	shalt  }
0x47: {  	_ =	shalt  }
0x48: {  	_ =	shalt  }
0x49: {  	_ =	shalt  }
0x4a: {  	_ =	shalt  }
0x4b: {  	_ =	shalt  }
0x4c: {  	_ =	shalt  }
0x4d: {  	_ =	shalt  }
0x4e: {  	_ =	shalt  }
0x4f: {  	_ =	shalt  }
0x50: {  	_ =	shalt  }
0x51: {  	_ =	shalt  }
0x52: {  	_ =	shalt  }
0x53: {  	_ =	shalt  }
0x54: {  	_ =	shalt  }
0x55: {  	_ =	shalt  }
0x56: {  	_ =	shalt  }
0x57: {  	_ =	shalt  }
0x58: {  	_ =	shalt  }
0x59: {  	_ =	shalt  }
0x5a: {  	_ =	shalt  }
0x5b: {  	_ =	shalt  }
0x5c: {  	_ =	shalt  }
0x5d: {  	_ =	shalt  }
0x5e: {  	_ =	shalt  }
0x5f: {  	_ =	shalt  }
0x60: {  	_ =	shalt  }
0x61: {  	_ =	shalt  }
0x62: {  	_ =	shalt  }
0x63: {  	_ =	shalt  }
0x64: {  	_ =	shalt  }
0x65: {  	_ =	shalt  }
0x66: {  	_ =	shalt  }
0x67: {  	_ =	shalt  }
0x68: {  	_ =	shalt  }
0x69: {  	_ =	shalt  }
0x6a: {  	_ =	shalt  }
0x6b: {  	_ =	shalt  }
0x6c: {  	_ =	shalt  }
0x6d: {  	_ =	shalt  }
0x6e: {  	_ =	shalt  }
0x6f: {  	_ =	shalt  }
0x70: {  	_ =	shalt  }
0x71: {  	_ =	shalt  }
0x72: {  	_ =	shalt  }
0x73: {  	_ =	shalt  }
0x74: {  	_ =	shalt  }
0x75: {  	_ =	shalt  }
0x76: {  	_ =	shalt  }
0x77: {  	_ =	shalt  }
0x78: {  	_ =	shalt  }
0x79: {  	_ =	shalt  }
0x7a: {  	_ =	shalt  }
0x7b: {  	_ =	shalt  }
0x7c: {  	_ =	shalt  }
0x7d: {  	_ =	shalt  }
0x7e: {  	_ =	shalt  }
0x7f: {  	_ =	shalt  }
0x80: {  	_ =	shalt  }
0x81: {  	_ =	shalt  }
0x82: {  	_ =	shalt  }
0x83: {  	_ =	shalt  }
0x84: {  	_ =	shalt  }
0x85: {  	_ =	shalt  }
0x86: {  	_ =	shalt  }
0x87: {  	_ =	shalt  }
.Lfunc_end0:
.L_simem_size_0:
called_computation.1_lowered:
.L_overlay_start_0:
0x88: {  	s2 =	sld [smem:$0x3FD9]  }
0x89: {  	s3 =	sld [smem:$0x3FFE];
	_ =	sdelay $0x1  }
0x8a: {  	s1 =	srdreg.scid  }
0x8b: {  	s0 =	sand.u32 $0x1, s1  }
0x8c: {  	s17 =	sshll.u32 s0, $0xA;
	s2 =	sadd.s32 s3, s2  }
0x8d: {  	s2 =	sadd.s32 s2, s17  }
0x8e: {  	[smem:$0x3FC6] =	sst s2  }
0x8f: {  	_ = 	snop  }
0x90: {  	s2 =	sld [smem:$0x3FD0];
	(tm) =	ssettm $0x1  }
0x91: {  	s18 =	sld [smem:$0x3FFB];
	_ =	sdelay $0x3  }
0x92: {  	_ =	strace s18  }
0x93: {  	s3 =	sld [smem:$0x3FFC];
	_ =	sdelay $0x3  }
0x94: {  	_ =	strace s3  }
0x95: {  	s3 =	sld [smem:$0x3FFD];
	_ =	sdelay $0x3  }
0x96: {  	_ =	strace s3  }
0x97: {  	_ =	strace $0x8FFFFFFF  }
0x98: {  	s19 =	sld [smem:$0x3FDB];
	_ =	sdelay $0x1  }
0x99: {  	s4 =	simm.s32 $_scs_section_size  }
0x9a: {  	s5 =	simm.s32 $_size__tile_overlayer_lowered;
	s6 =	simm.s32 $_tile_overlayer_lowered  }
0x9b: {  	s22 =	simm.s32 $0x1BFF;
	s21 =	sshll.u32 s6, $0x1;
	s3 =	sadd.s32 s4, s19  }
0x9c: {  	s7 =	simm.s32 $0x0;
	s20 =	sshll.u32 s5, $0x1;
	s5 =	sadd.s32 s21, s3  }
0x9d: {  	[timem:s7], [sflag:s22] =	dma.local [hbm:s5], s20  }
0x9e: {  	_ =	swait.ge [sflag:s22], s20  }
0x9f: {  	s4 =	ssub.s32 $0x0, s20;
	[sflag:s22] =	ssyncset.done $0x0  }
0xa0: {  	[sflag:s22] =	ssyncadd.s32 s4;
	_ =	sdelay $0x1  }
0xa1: {  	s23 =	simm.s32 $0x1B8B  }
0xa2: {  	_ =	swait.ge [sflag:s23], $0x1  }
0xa3: {  	[sflag:s23] =	ssyncset.done $0x0  }
0xa4: {  	s25 =	simm.s32 $0x1B8E;
	s24 =	sld [smem:$0x3FFE];
	[sflag:s23] =	ssyncadd.s32 $0xFFFFFFFF  }
0xa5: {  	s26 =	simm.s32 $execute0_lowered;
	[smem:$0x3FD2] =	sst s25  }
0xa6: {  	s5 =	sshll.u32 s26, $0x1;
	_ =	strace $0x80000046;
	[dreg:$0x1] =	wrdreg $0xFFFFFFFF  }
0xa7: {  	s28 =	simm.s32 $_size_execute0_lowered;
	s3 =	sadd.s32 s3, s5;
	[dreg:$0x0] =	wrdreg $0x0  }
0xa8: {  	s5 =	sshll.u32 s28, $0x1;
	[dreg:$0x2] =	wrdreg s3  }
0xa9: {  	[dreg:$0x3] =	wrdreg s5  }
0xaa: {  	[dreg:$0x4] =	wrdreg $0xC0  }
0xab: {  	_ =	task [dreg:s7], $0x5FFFF  }
0xac: {  	[dreg:$0x1] =	wrdreg $0xFFFFFFFF  }
0xad: {  	[dreg:$0x0] =	wrdreg $0x60  }
0xae: {  	[dreg:$0x2] =	wrdreg s24  }
0xaf: {  	[dreg:$0x3] =	wrdreg s2  }
0xb0: {  	[dreg:$0x4] =	wrdreg $0x9  }
0xb1: {  	_ =	task.clear_ibuf [dreg:s7], $0x5FFFF;
	_ =	strace $0x90000046  }
0xb2: {  	s29 =	simm.s32 $0x9;
	_ =	strace $0x80000048  }
0xb3: {  	_ =	swait.ge [sflag:s29], $0x1  }
0xb4: {  	[sflag:s29] =	ssyncadd.s32 $0xFFFFFFFF  }
0xb5: {  	_ =	strace $0x90000048  }
0xb6: {  	_ =	sfence  }
0xb7: {  	s30 =	sld [smem:$0x0];
	_ =	sdelay $0x2  }
0xb8: {  	s31 =	sshll.u32 s1, $0xD;
	s1 =	sshrl.u32 s1, $0x2  }
0xb9: {  	s3 =	sand.u32 $0x4000, s31;
	s1 =	sadd.s32 s1, s30  }
0xba: {  	s0 =	sor.u32 s3, s0;
	s1 =	sshll.u32 s1, $0x11  }
0xbb: {  	s0 =	sor.u32 s1, s0  }
0xbc: {  	s0 =	sadd.s32 $0x8F2B, s0  }
0xbd: {  	[sflag:s0] =	ssyncadd.remote.s32 $0x1  }
0xbe: {  	_ =	sfence.sel $0xFFFF  }
0xbf: {  	[dreg:$0x0] =	wrdreg $0xFFFFFFFF;
	(pc) =	sbr.abs _section_cstart, $3  }
0xc0: {  	[dreg:$0x1] =	wrdreg $0xFFFFFFFF  }
0xc1: {  	_ =	task.clear_ibuf [dreg:s7], $0x2FFFF;
	_ =	strace $0x9FFFFFFF  }
0xc2: {  	(tm) =	ssettm $0x7FFFFFFF  }
0xc3: {  	_ =	shalt  }
tec
execute0_lowered:
.L_overlay_start_1:
0x0: {  	(tag) =	ssettag $0x1  }
0x1: {  	s1 =	srdreg.scid;
	s4 =	rddreg [dreg:$0x0]  }
0x2: {  	s0 =	stileid.u32;
	s2 =	rddreg [dreg:$0x1]  }
0x3: {  	s3 =	simm.s32 $0x0;
	s9 =	simm.s32 $0x1;
	s10 =	simm.s32 $0x3  }
0x4: {  	s11 =	simm.s32 $0x2;
	s12 =	simm.s32 $0x12C00;
	s13 =	simm.s32 $0x4  }
0x5: {  	s14 =	simm.s32 $0x0;
	s5 =	sand.u32 $0x1, s1;
	s31 =	sshll.u32 s0, $0x1  }
.Ltmp0:
0x6: {  	s6 =	sor.u32 s5, s31;
	s5 =	ssub.s32 $0x2, s5;
	(pc) =	sbr.rel .LBB2_1-.Ltmp0, $4  }
0x7: {  	[smem:$0x7FF] =	sst s3;
	s7 =	smul.u32 $0xC80, s6;
	s8 =	sshrl.u32 s5, $0x1  }
0x8: {  	s1 =	rddreg [dreg:$0x2];
	_ =	strace $0x80000047;
	s8 =	ssub.s32 s5, s8  }
0x9: {  	s5 =	smul.u32 $0x6400, s6;
	s7 =	sadd.s32 s7, s4;
	s4 =	sadd.s32 $0xF42E00, s4  }
0xa: {  	vm0 =	vmmov $0xffff;
	v0 =	vimm.s32 $0x0;
	s6 =	sadd.s32 $0xA00, s7;
	s7 =	smax.u32 s8, $0x1;
	s8 =	simm.s32 $0x5  }
.LBB2_26:
0xb: {  	s14 =	sadd.s32 $0x1, s14  }
0xc: {  	p0 =	sne.s32 s14, s7  }
.Ltmp1:
0xd: {  	_ = 	snop;
	(pc) =	sbr.rel @!p0 .LBB2_27-.Ltmp1, $4  }
0xe: {  	_ = 	snop  }
0xf: {  	_ =	swait.ge [sflag:s13], $0xC800  }
0x10: {  	[sflag:s13] =	ssyncset.done $0x0  }
0x11: {  	[sflag:s13] =	ssyncadd.s32 $0xFFFF3800  }
.LBB2_1:
0x12: {  	[tilespmem:s3], [sflag:$0x5] =	stream.linear.gather [hbm4b:s6+s3], $0x6400, $0x38;
	[tilespmem:$0x1F420] =	vst v63  }
0x13: {  	s15 =	sand.u32 $0x1E00, s3;
	_ =	swait.ge [sflag:s8], $0x6400  }
0x14: {  	s17 =	sand.u32 $0x70, s3;
	s15 =	sshrl.u32 s15, $0x2;
	[sflag:s8] =	ssyncset.done $0x0  }
0x15: {  	s15 =	sor.u32 s17, s15;
	[sflag:s8] =	ssyncadd.s32 $0xFFFF9C00  }
0x16: {  	v1 =	vld [tilespmem:s15+$0x0];
	_ =	sdelay $0x3  }
0x17: {  	s18 =	simm.s32 $0x40  }
0x18: {  	s16 =	simm.s32 $0x6400;
	s18 =	sand.u32 $0x1E00, s18;
	s17 =	simm.s32 $0x10  }
0x19: {  	s20 =	sshrl.u32 s18, $0x2;
	s18 =	simm.s32 $0x80;
	s19 =	sand.u32 $0x70, s17  }
.LBB2_2:
0x1a: {  	p0 =	sne.s32 s18, $0x18C0;
	s19 =	sor.u32 s19, s20;
	s15 =	simm.s32 $0x0  }
0x1b: {  	[tilespmem:s16], [sflag:$0x1] =	stream.indirect_vreg.gather [hbm4b:s4+s15], $0x20, v1, vm0, $0xb8;
	[tilespmem:$0x1F420] =	vst v63  }
0x1c: {  	v1 =	vld [tilespmem:s19+$0x0];
	_ =	sdelay $0x1  }
.Ltmp2:
0x1d: {  	(pc) =	sbr.rel @p0 .LBB2_2-.Ltmp2, $3  }
0x1e: {  	_ =	sdelay $0x1  }
0x1f: {  	s20 =	sand.u32 $0x1E00, s18;
	s17 =	sadd.s32 $0x10, s17;
	s16 =	sadd.s32 $0x200, s16  }
0x20: {  	s18 =	sadd.s32 $0x40, s18;
	s20 =	sshrl.u32 s20, $0x2;
	s19 =	sand.u32 $0x70, s17  }
0x21: {  	_ =	sdelay $0x2  }
0x22: {  	s17 =	sor.u32 s19, s20  }
0x23: {  	[tilespmem:s16], [sflag:$0x1] =	stream.indirect_vreg.gather [hbm4b:s4+s15], $0x20, v1, vm0, $0xb8;
	[tilespmem:$0x1F420] =	vst v63  }
0x24: {  	v1 =	vld [tilespmem:s17+$0x0];
	_ =	sdelay $0x3  }
.Ltmp3:
0x25: {  	_ = 	snop;
	(pc) =	sbr.rel .LBB2_4-.Ltmp3, $4  }
0x26: {  	_ = 	snop  }
0x27: {  	s31 =	sadd.s32 $0x200, s16;
	s16 =	simm.s32 $0x1900  }
0x28: {  	s18 =	simm.s32 $0x3200;
	s19 =	simm.s32 $0x0;
	s17 =	simm.s32 $0x640  }
0x29: {  	[tilespmem:s31], [sflag:$0x1] =	stream.indirect_vreg.gather [hbm4b:s4+s15], $0x20, v1, vm0, $0xb8;
	[tilespmem:$0x1F420] =	vst v63  }
.LBB2_25:
0x2a: {  	s20 =	smul.u32 $0x640, s20;
	s19 =	sadd.s32 $0x1, s19  }
0x2b: {  	p0 =	sne.s32 s19, $0x8  }
.Ltmp4:
0x2c: {  	s20 =	sadd.s32 s5, s20;
	(pc) =	sbr.rel @!p0 .LBB2_26-.Ltmp4, $4  }
0x2d: {  	s20 =	sshll.u32 s20, $0x2  }
0x2e: {  	s16 =	sadd.s32 $0x3200, s16;
	s17 =	sadd.s32 $0xC80, s17;
	s20 =	sand.u32 $0x1FFFFF00, s20  }
0x2f: {  	s15 =	sadd.s32 $0xC8, s15;
	s18 =	sadd.s32 $0x3200, s18;
	s20 =	sadd.s32 s2, s20  }
0x30: {  	[hbm4b:s20+s3] =	stream.linear.scatter [tilespmem:s12], [sflag:$0x4], $0xC800, $0x38;
	[tilespmem:$0x1F420] =	vst v63  }
.LBB2_4:
0x31: {  	p0 =	seq.s32 s19, $0x0  }
0x32: {  	s20 =	simm.s32 @!p0 $0x4  }
0x33: {  	s21 =	sshll.u32 s19, $0x1;
	s30 =	sadd.s32 $0x0, s17;
	_ =	swait.ge @!p0 [sflag:s20], $0xC800  }
0x34: {  	s22 =	sand.u32 $0x7FFFFE00, s16;
	s25 =	sand.u32 $0x70, s30;
	[sflag:s20] =	ssyncset.done @!p0 $0x0  }
0x35: {  	[sflag:s20] =	ssyncadd.s32 @!p0 $0xFFFF3800;
	s20 =	sor.u32 $0x1, s21;
	s21 =	sshrl.u32 s22, $0x2  }
0x36: {  	s22 =	sor.u32 s25, s21  }
0x37: {  	v1 =	vld [tilespmem:s22+$0x0];
	_ =	sdelay $0x3  }
0x38: {  	s24 =	sadd.s32 $0x40, s16  }
0x39: {  	s23 =	simm.s32 $0x12C00;
	s31 =	sadd.s32 $0x10, s17;
	s28 =	sand.u32 $0x7FFFFE00, s24  }
0x3a: {  	s26 =	sand.u32 $0x70, s31;
	s28 =	sshrl.u32 s28, $0x2;
	s25 =	simm.s32 $0x20  }
.LBB2_5:
0x3b: {  	p0 =	sne.s32 s25, $0x630;
	s26 =	sor.u32 s26, s28;
	s22 =	simm.s32 $0x0  }
0x3c: {  	[tilespmem:s23], [sflag:$0x2] =	stream.indirect_vreg.gather [hbm4b:s4+s22], $0x20, v1, vm0, $0xb8;
	[tilespmem:$0x1F420] =	vst v63  }
0x3d: {  	v1 =	vld [tilespmem:s26+$0x0];
	_ =	sdelay $0x1  }
.Ltmp5:
0x3e: {  	(pc) =	sbr.rel @p0 .LBB2_5-.Ltmp5, $4  }
0x3f: {  	_ = 	snop  }
0x40: {  	s24 =	sadd.s32 $0x40, s24  }
0x41: {  	s28 =	sand.u32 $0x7FFFFE00, s24;
	s23 =	sadd.s32 $0x200, s23;
	s26 =	sadd.s32 s25, s17  }
0x42: {  	s28 =	sshrl.u32 s28, $0x2;
	s25 =	sadd.s32 $0x10, s25;
	s26 =	sand.u32 $0x70, s26  }
0x43: {  	_ =	sdelay $0x2  }
0x44: {  	s24 =	sor.u32 s26, s28  }
0x45: {  	[tilespmem:s23], [sflag:$0x2] =	stream.indirect_vreg.gather [hbm4b:s4+s22], $0x20, v1, vm0, $0xb8;
	[tilespmem:$0x1F420] =	vst v63  }
0x46: {  	v1 =	vld [tilespmem:s24+$0x0];
	_ =	sdelay $0x1  }
0x47: {  	s28 =	sadd.s32 $0x200, s23;
	s29 =	simm.s32 $0x0  }
0x48: {  	s30 =	sadd.s32 $0xFFFFFF9C, s15;
	p2 =	por $0x0, $0x0;
	s23 =	sand.u32 $0x7, s29  }
.Ltmp6:
0x49: {  	p0 =	seq.s32 s30, $0xFFFFFF9C;
	p1 =	sne.s32 s23, $0x0;
	(pc) =	sbr.rel @p2 .LBB2_7-.Ltmp6, $4  }
0x4a: {  	p0 =	por !p0, !p1  }
0x4b: {  	s25 =	simm.s32 $0x1;
	s31 =	sadd.s32 $0x64, s30;
	p0 =	por !p0, !p0  }
0x4c: {  	s24 =	sshrl.u32 s31, $0x3;
	s25 =	simm.s32 @!p0 $0x0;
	p0 =	por $0x0, $0x0  }
0x4d: {  	[tilespmem:s28], [sflag:$0x2] =	stream.indirect_vreg.gather [hbm4b:s4+s22], $0x20, v1, vm0, $0xb8;
	v1 =	vimm.s32 $0x0;
	[tilespmem:$0x1F420] =	vst v63  }
0x4e: {  	s26 =	simm.s32 $0x1;
	s28 =	sadd.s32 $0xFFFFFF9D, s15;
	s24 =	ssub.s32 s24, s25  }
0x4f: {  	s23 =	simm.s32 $0xFFFFFF9E;
	s22 =	sand.u32 $0x70, s22;
	p1 =	por $0x0, $0x0  }
.Ltmp7:
0x50: {  	s24 =	sshll.u32 s24, $0x9;
	s30 =	sand.u32 $0x7, s26;
	(pc) =	sbr.rel @p1 .LBB2_9-.Ltmp7, $4  }
0x51: {  	p0 =	seq.s32 s28, $0xFFFFFF9C;
	s24 =	sshra.s32 s24, $0x2;
	p2 =	sne.s32 s30, $0x0  }
0x52: {  	s31 =	sadd.s32 $0x64, s28;
	s22 =	sor.u32 s22, s24;
	p0 =	por !p0, !p2  }
0x53: {  	s25 =	simm.s32 $0x1;
	s24 =	sshrl.u32 s31, $0x3;
	p0 =	por !p0, !p0;
	v3 =	vld [tilespmem:s22+$0x0]  }
0x54: {  	v2 =	vimm.s32 $0x0;
	s22 =	simm.s32 $0x10;
	s25 =	simm.s32 @!p0 $0x0;
	p0 =	por $0x1, $0x1  }
.LBB2_10:
0x55: {  	s26 =	sadd.s32 $0x64, s23  }
0x56: {  	s28 =	sadd.s32 s23, s15;
	s24 =	ssub.s32 s24, s25;
	s23 =	sadd.s32 $0x1, s23  }
0x57: {  	s25 =	sand.u32 $0x70, s22;
	s24 =	sshll.u32 s24, $0x9;
	p1 =	seq.s32 s23, $0x0  }
.Ltmp8:
0x58: {  	s26 =	sand.u32 $0x7, s26;
	s24 =	sshra.s32 s24, $0x2;
	vm1 =	veq.s32 v3, $0x0;
	(pc) =	sbr.rel @!p1 .LBB2_10-.Ltmp8, $4  }
0x59: {  	p2 =	seq.s32 s28, $0xFFFFFF9C;
	p3 =	sne.s32 s26, $0x0;
	s24 =	sor.u32 s25, s24;
	v4 =	vsel vm1, $0x1, v0  }
0x5a: {  	p2 =	por !p2, !p3;
	v3 =	vld [tilespmem:s24+$0x0];
	v2 =	vor.u32 v4, v2  }
0x5b: {  	s25 =	simm.s32 $0x1;
	s24 =	sadd.s32 $0x64, s28;
	p2 =	por !p2, !p2  }
0x5c: {  	s22 =	sadd.s32 $0x10, s22;
	s24 =	sshrl.u32 s24, $0x3;
	s25 =	simm.s32 @!p2 $0x0  }
.LBB2_11:
0x5d: {  	s23 =	ssub.s32 s24, s25  }
0x5e: {  	s23 =	sshll.u32 s23, $0x9  }
0x5f: {  	s22 =	sand.u32 $0x70, s22;
	s23 =	sshra.s32 s23, $0x2  }
0x60: {  	s22 =	sor.u32 s22, s23  }
0x61: {  	v4 =	vld [tilespmem:s22+$0x0];
	_ =	sdelay $0x2  }
0x62: {  	vm1 =	veq.s32 @p0 v3, $0x0  }
0x63: {  	v3 =	vsel @p0 vm1, $0x1, v0  }
0x64: {  	v2 =	vor.u32 @p0 v3, v2;
	vm1 =	veq.s32 v4, $0x0  }
0x65: {  	v1 =	vpsel p0, v2, v1;
	v2 =	vsel vm1, $0x1, v0  }
0x66: {  	[tilespmem:$0x1F410] =	vst v0;
	v1 =	vor.u32 v2, v1  }
0x67: {  	[tilespmem:$0x1F400] =	vst v1  }
0x68: {  	v2 =	vld [tilespmem:$0x1F408];
	_ =	sdelay $0x4  }
0x69: {  	v1 =	vor.u32 v1, v2  }
0x6a: {  	[tilespmem:$0x1F400] =	vst v1  }
0x6b: {  	v2 =	vld [tilespmem:$0x1F404];
	_ =	sdelay $0x4  }
0x6c: {  	v1 =	vor.u32 v1, v2  }
0x6d: {  	[tilespmem:$0x1F400] =	vst v1  }
0x6e: {  	v2 =	vld [tilespmem:$0x1F402];
	_ =	sdelay $0x4  }
0x6f: {  	v1 =	vor.u32 v1, v2  }
0x70: {  	[tilespmem:$0x1F400] =	vst v1  }
0x71: {  	v2 =	vld [tilespmem:$0x1F401];
	_ =	sdelay $0x4  }
0x72: {  	v1 =	vor.u32 v1, v2  }
0x73: {  	(v2sf) =	vpush v1, $0x0;
	_ =	sdelay $0xe  }
0x74: {  	s31 =	spop (v2sf)  }
0x75: {  	p0 =	slt.s32 s31, $0x1  }
.Ltmp9:
0x76: {  	_ = 	snop;
	(pc) =	sbr.rel @p0 .LBB2_15-.Ltmp9, $4  }
0x77: {  	[tilespmem:$0x1F400] =	vst v1  }
0x78: {  	_ =	swait.ge [sflag:s9], $0xC800  }
0x79: {  	[sflag:s9] =	ssyncset.done $0x0  }
0x7a: {  	[sflag:s9] =	ssyncadd.s32 $0xFFFF3800  }
0x7b: {  	s22 =	simm.s32 $0x0  }
0x7c: {  	s23 =	sadd.s32 $0xFFFFFF9C, s15;
	s22 =	sand.u32 $0x7, s22  }
0x7d: {  	p0 =	seq.s32 s23, $0xFFFFFF9C;
	p1 =	sne.s32 s22, $0x0  }
0x7e: {  	p0 =	por !p0, !p1  }
0x7f: {  	s26 =	sadd.s32 $0x64, s23;
	s23 =	simm.s32 $0x1;
	p0 =	por !p0, !p0  }
0x80: {  	s22 =	sshrl.u32 s26, $0x3;
	s23 =	simm.s32 @!p0 $0x0  }
0x81: {  	s23 =	ssub.s32 s22, s23  }
0x82: {  	s22 =	simm.s32 $0x0;
	s23 =	sshll.u32 s23, $0x9  }
0x83: {  	s24 =	sand.u32 $0x70, s22;
	s23 =	sshra.s32 s23, $0x2  }
0x84: {  	s23 =	sor.u32 s24, s23  }
0x85: {  	v1 =	vld [tilespmem:s23+$0x0];
	_ =	sdelay $0x4  }
0x86: {  	(v2sf) =	vpush v1, $0x0;
	_ =	sdelay $0x1  }
0x87: {  	(v2sf) =	vpush v1, $0x1;
	_ =	sdelay $0x1  }
0x88: {  	(v2sf) =	vpush v1, $0x2;
	_ =	sdelay $0x1  }
0x89: {  	(v2sf) =	vpush v1, $0x3;
	_ =	sdelay $0x1  }
0x8a: {  	(v2sf) =	vpush v1, $0x4;
	_ =	sdelay $0x1  }
0x8b: {  	(v2sf) =	vpush v1, $0x5;
	_ =	sdelay $0x1  }
0x8c: {  	(v2sf) =	vpush v1, $0x6;
	_ =	sdelay $0x1  }
0x8d: {  	(v2sf) =	vpush v1, $0x7  }
0x8e: {  	s28 =	spop (v2sf)  }
0x8f: {  	(v2sf) =	vpush v1, $0x8;
	p0 =	sne.s32 s28, $0x0  }
0x90: {  	s23 =	simm.s32 $0x6500;
	(v2sf) =	vpush v1, $0x9;
	s29 =	spop (v2sf);
	v2 =	vimm.f32 @!p0 $0.0e+00  }
0x91: {  	(v2sf) =	vpush v1, $0xA;
	p1 =	sne.s32 s29, $0x0;
	[tilespmem:s23+$0xFFFFFF00] =	vst @!p0 v2  }
0x92: {  	(v2sf) =	vpush v1, $0xB;
	s30 =	spop (v2sf);
	v3 =	vimm.f32 @!p1 $0.0e+00;
	[tilespmem:s23+$0xFFFFFF10] =	vst @!p0 v2  }
0x93: {  	(v2sf) =	vpush v1, $0xC;
	p0 =	sne.s32 s30, $0x0;
	[tilespmem:s23+$0xFFFFFF20] =	vst @!p1 v3  }
0x94: {  	s31 =	spop (v2sf);
	(v2sf) =	vpush v1, $0xD;
	v2 =	vimm.f32 @!p0 $0.0e+00;
	[tilespmem:s23+$0xFFFFFF30] =	vst @!p1 v3  }
0x95: {  	p1 =	sne.s32 s31, $0x0;
	(v2sf) =	vpush v1, $0xE;
	[tilespmem:s23+$0xFFFFFF40] =	vst @!p0 v2  }
0x96: {  	s25 =	spop (v2sf);
	[tilespmem:s23+$0xFFFFFF50] =	vst @!p0 v2;
	(v2sf) =	vpush v1, $0xF;
	v1 =	vimm.f32 @!p1 $0.0e+00  }
0x97: {  	p0 =	sne.s32 s25, $0x0;
	[tilespmem:s23+$0xFFFFFF60] =	vst @!p1 v1  }
0x98: {  	s26 =	spop (v2sf);
	v2 =	vimm.f32 @!p0 $0.0e+00;
	[tilespmem:s23+$0xFFFFFF70] =	vst @!p1 v1  }
0x99: {  	p1 =	sne.s32 s26, $0x0;
	[tilespmem:s23+$0xFFFFFF80] =	vst @!p0 v2  }
0x9a: {  	s28 =	spop (v2sf);
	[tilespmem:s23+$0xFFFFFF90] =	vst @!p0 v2;
	v1 =	vimm.f32 @!p1 $0.0e+00  }
0x9b: {  	p0 =	sne.s32 s28, $0x0;
	[tilespmem:s23+$0xFFFFFFA0] =	vst @!p1 v1  }
0x9c: {  	s29 =	spop (v2sf);
	v2 =	vimm.f32 @!p0 $0.0e+00;
	[tilespmem:s23+$0xFFFFFFB0] =	vst @!p1 v1  }
0x9d: {  	p1 =	sne.s32 s29, $0x0;
	[tilespmem:s23+$0xFFFFFFC0] =	vst @!p0 v2  }
0x9e: {  	s30 =	spop (v2sf);
	[tilespmem:s23+$0xFFFFFFD0] =	vst @!p0 v2;
	v1 =	vimm.f32 @!p1 $0.0e+00  }
0x9f: {  	p0 =	sne.s32 s30, $0x0;
	[tilespmem:s23+$0xFFFFFFE0] =	vst @!p1 v1;
	s25 =	spop (v2sf)  }
0xa0: {  	v2 =	vimm.f32 @!p0 $0.0e+00;
	[tilespmem:s23+$0xFFFFFFF0] =	vst @!p1 v1;
	s31 =	spop (v2sf)  }
0xa1: {  	[tilespmem:s23+$0x0] =	vst @!p0 v2;
	s26 =	spop (v2sf)  }
0xa2: {  	[tilespmem:s23+$0x10] =	vst @!p0 v2;
	p0 =	por $0x0, $0x0;
	p1 =	sne.s32 s25, $0x0;
	s29 =	spop (v2sf)  }
.Ltmp10:
0xa3: {  	v1 =	vimm.f32 @!p1 $0.0e+00;
	s28 =	spop (v2sf);
	(pc) =	sbr.rel @p0 .LBB2_14-.Ltmp10, $4  }
0xa4: {  	p6 =	sne.s32 s31, $0x0;
	[tilespmem:s23+$0x20] =	vst @!p1 v1;
	s30 =	spop (v2sf)  }
0xa5: {  	p3 =	sne.s32 s26, $0x0;
	v2 =	vimm.f32 @!p6 $0.0e+00;
	[tilespmem:s23+$0x30] =	vst @!p1 v1;
	p5 =	sne.s32 s29, $0x0;
	s31 =	spop (v2sf)  }
0xa6: {  	v5 =	vimm.f32 @!p3 $0.0e+00;
	[tilespmem:s23+$0x40] =	vst @!p6 v2;
	v3 =	vimm.f32 @!p5 $0.0e+00;
	p4 =	sne.s32 s28, $0x0;
	p2 =	sne.s32 s30, $0x0;
	p1 =	sne.s32 s31, $0x0  }
0xa7: {  	s24 =	simm.s32 $0xFFFFFF9D;
	[tilespmem:s23+$0x50] =	vst @!p6 v2;
	v4 =	vimm.f32 @!p4 $0.0e+00;
	v2 =	vimm.f32 @!p2 $0.0e+00;
	v1 =	vimm.f32 @!p1 $0.0e+00  }
.LBB2_13:
0xa8: {  	s25 =	sadd.s32 $0x64, s24;
	[tilespmem:s23+$0x60] =	vst @!p3 v5;
	s26 =	smov.u32 s24;
	s24 =	sadd.s32 $0x1, s24  }
0xa9: {  	[tilespmem:s23+$0x70] =	vst @!p3 v5;
	s26 =	sadd.s32 s26, s15;
	s25 =	sand.u32 $0x7, s25;
	p0 =	seq.s32 s24, $0x0  }
0xaa: {  	[tilespmem:s23+$0x80] =	vst @!p5 v3;
	s28 =	simm.s32 @!p0 $0x0;
	p3 =	seq.s32 s26, $0xFFFFFF9C;
	p6 =	sne.s32 s25, $0x0  }
0xab: {  	[tilespmem:s23+$0x90] =	vst @!p5 v3;
	s28 =	simm.s32 @p0 $0x1;
	p0 =	por !p3, !p6  }
0xac: {  	[tilespmem:s23+$0xA0] =	vst @!p4 v4;
	s30 =	sadd.s32 $0x64, s26;
	s26 =	simm.s32 $0x1;
	p0 =	por !p0, !p0  }
0xad: {  	[tilespmem:s23+$0xB0] =	vst @!p4 v4;
	s25 =	sshrl.u32 s30, $0x3;
	s26 =	simm.s32 @!p0 $0x0  }
0xae: {  	[tilespmem:s23+$0xC0] =	vst @!p2 v2;
	s25 =	ssub.s32 s25, s26  }
0xaf: {  	[tilespmem:s23+$0xD0] =	vst @!p2 v2;
	s22 =	sadd.s32 $0x10, s22;
	s25 =	sshll.u32 s25, $0x9  }
0xb0: {  	[tilespmem:s23+$0xE0] =	vst @!p1 v1;
	s31 =	sand.u32 $0x70, s22;
	s25 =	sshra.s32 s25, $0x2  }
0xb1: {  	[tilespmem:s23+$0xF0] =	vst @!p1 v1;
	s25 =	sor.u32 s31, s25  }
0xb2: {  	v1 =	vld [tilespmem:s25+$0x0];
	_ =	sdelay $0x4  }
0xb3: {  	(v2sf) =	vpush v1, $0x0  }
0xb4: {  	(v2sf) =	vpush v1, $0x1  }
0xb5: {  	(v2sf) =	vpush v1, $0x2  }
0xb6: {  	(v2sf) =	vpush v1, $0x3  }
0xb7: {  	(v2sf) =	vpush v1, $0x4  }
0xb8: {  	(v2sf) =	vpush v1, $0x5  }
0xb9: {  	(v2sf) =	vpush v1, $0x6  }
0xba: {  	(v2sf) =	vpush v1, $0x7;
	_ =	sdelay $0x1  }
0xbb: {  	(v2sf) =	vpush v1, $0x8  }
0xbc: {  	(v2sf) =	vpush v1, $0x9  }
0xbd: {  	(v2sf) =	vpush v1, $0xA  }
0xbe: {  	(v2sf) =	vpush v1, $0xB;
	_ =	sdelay $0x1  }
0xbf: {  	(v2sf) =	vpush v1, $0xC  }
0xc0: {  	(v2sf) =	vpush v1, $0xD;
	s26 =	spop (v2sf)  }
0xc1: {  	[smem:$0x7FD] =	sst s28;
	(v2sf) =	vpush v1, $0xE;
	s28 =	spop (v2sf)  }
0xc2: {  	(v2sf) =	vpush v1, $0xF;
	p0 =	sne.s32 s26, $0x0;
	s29 =	spop (v2sf)  }
0xc3: {  	s23 =	sadd.s32 $0x200, s23;
	v1 =	vimm.f32 @!p0 $0.0e+00;
	s30 =	spop (v2sf)  }
0xc4: {  	p1 =	sne.s32 s28, $0x0;
	[tilespmem:s23+$0xFFFFFF00] =	vst @!p0 v1;
	s31 =	spop (v2sf)  }
0xc5: {  	v2 =	vimm.f32 @!p1 $0.0e+00;
	p4 =	sne.s32 s29, $0x0;
	[tilespmem:s23+$0xFFFFFF10] =	vst @!p0 v1;
	s26 =	spop (v2sf)  }
0xc6: {  	v1 =	vimm.f32 @!p4 $0.0e+00;
	[tilespmem:s23+$0xFFFFFF20] =	vst @!p1 v2;
	s28 =	spop (v2sf)  }
0xc7: {  	[tilespmem:s23+$0xFFFFFF40] =	vst @!p4 v1;
	s29 =	spop (v2sf)  }
0xc8: {  	p0 =	sne.s32 s30, $0x0;
	p3 =	sne.s32 s31, $0x0;
	[tilespmem:s23+$0xFFFFFF50] =	vst @!p4 v1;
	p4 =	sne.s32 s29, $0x0  }
0xc9: {  	[tilespmem:s23+$0xFFFFFF30] =	vst @!p1 v2;
	v3 =	vimm.f32 @!p0 $0.0e+00;
	p2 =	sne.s32 s26, $0x0;
	s30 =	spop (v2sf);
	s25 =	simm.s32 @!p4 $0x0  }
0xca: {  	[tilespmem:s23+$0xFFFFFF60] =	vst @!p0 v3;
	p1 =	sne.s32 s28, $0x0;
	s31 =	spop (v2sf);
	s25 =	simm.s32 @p4 $0x1  }
0xcb: {  	v2 =	vimm.f32 @!p3 $0.0e+00;
	[tilespmem:s23+$0xFFFFFF70] =	vst @!p0 v3;
	v6 =	vimm.f32 @!p4 $0.0e+00;
	p4 =	sne.s32 s30, $0x0;
	p0 =	sne.s32 s31, $0x0;
	s26 =	spop (v2sf)  }
0xcc: {  	[tilespmem:s23+$0xFFFFFF80] =	vst @!p3 v2;
	[smem:$0x7FA] =	sst s25;
	s25 =	simm.s32 @!p4 $0x0;
	s28 =	spop (v2sf)  }
0xcd: {  	v4 =	vimm.f32 @!p2 $0.0e+00;
	[tilespmem:s23+$0xFFFFFF90] =	vst @!p3 v2;
	s25 =	simm.s32 @p4 $0x1;
	p3 =	sne.s32 s28, $0x0;
	s28 =	sld [smem:$0x7FA]  }
0xce: {  	[tilespmem:s23+$0xFFFFFFA0] =	vst @!p2 v4;
	p6 =	sne.s32 s26, $0x0;
	s29 =	spop (v2sf);
	[smem:$0x7FB] =	sst s25  }
0xcf: {  	v1 =	vimm.f32 @!p1 $0.0e+00;
	[tilespmem:s23+$0xFFFFFFB0] =	vst @!p2 v4;
	s25 =	simm.s32 @!p0 $0x0;
	p5 =	sne.s32 s29, $0x0;
	s30 =	spop (v2sf)  }
0xd0: {  	[tilespmem:s23+$0xFFFFFFC0] =	vst @!p1 v1;
	s25 =	simm.s32 @p0 $0x1;
	s31 =	spop (v2sf);
	s29 =	sld [smem:$0x7FB]  }
0xd1: {  	[tilespmem:s23+$0xFFFFFFD0] =	vst @!p1 v1;
	[smem:$0x7FC] =	sst s25;
	s26 =	spop (v2sf);
	p1 =	seq.s32 s28, $0x1  }
0xd2: {  	v7 =	vimm.f32 @!p4 $0.0e+00;
	v8 =	vimm.f32 @!p0 $0.0e+00;
	p4 =	sne.s32 s30, $0x0;
	p0 =	sne.s32 s26, $0x0;
	[tilespmem:s23+$0xFFFFFFE0] =	vst @!p1 v6;
	s30 =	sld [smem:$0x7FC]  }
0xd3: {  	[tilespmem:s23+$0xFFFFFFF0] =	vst @!p1 v6;
	v1 =	vimm.f32 @!p0 $0.0e+00;
	p1 =	por p0, p0;
	p0 =	seq.s32 s29, $0x1  }
0xd4: {  	p2 =	sne.s32 s31, $0x0;
	s31 =	sld [smem:$0x7FD];
	[tilespmem:s23+$0x0] =	vst @!p0 v7  }
0xd5: {  	[tilespmem:s23+$0x10] =	vst @!p0 v7;
	p0 =	seq.s32 s30, $0x1  }
0xd6: {  	[tilespmem:s23+$0x20] =	vst @!p0 v8  }
0xd7: {  	[tilespmem:s23+$0x30] =	vst @!p0 v8;
	p0 =	seq.s32 s31, $0x1  }
.Ltmp11:
0xd8: {  	_ = 	snop;
	(pc) =	sbr.rel @!p0 .LBB2_13-.Ltmp11, $4  }
0xd9: {  	_ = 	snop  }
0xda: {  	v9 =	vimm.f32 @!p6 $0.0e+00  }
0xdb: {  	v5 =	vimm.f32 @!p3 $0.0e+00;
	[tilespmem:s23+$0x40] =	vst @!p6 v9  }
0xdc: {  	[tilespmem:s23+$0x50] =	vst @!p6 v9;
	v3 =	vimm.f32 @!p5 $0.0e+00;
	v4 =	vimm.f32 @!p4 $0.0e+00;
	v2 =	vimm.f32 @!p2 $0.0e+00  }
.LBB2_14:
0xdd: {  	[tilespmem:s23+$0x60] =	vst @!p3 v5  }
0xde: {  	[tilespmem:s23+$0x70] =	vst @!p3 v5  }
0xdf: {  	[tilespmem:s23+$0x80] =	vst @!p5 v3  }
0xe0: {  	[tilespmem:s23+$0x90] =	vst @!p5 v3  }
0xe1: {  	[tilespmem:s23+$0xA0] =	vst @!p4 v4  }
0xe2: {  	[tilespmem:s23+$0xB0] =	vst @!p4 v4  }
0xe3: {  	[tilespmem:s23+$0xC0] =	vst @!p2 v2  }
0xe4: {  	[tilespmem:s23+$0xD0] =	vst @!p2 v2  }
0xe5: {  	[tilespmem:s23+$0xE0] =	vst @!p1 v1  }
0xe6: {  	[tilespmem:s23+$0xF0] =	vst @!p1 v1  }
.LBB2_15:
0xe7: {  	s22 =	smul.u32 $0xC80, s19;
	_ =	sdelay $0x1  }
0xe8: {  	s22 =	sadd.s32 s5, s22  }
0xe9: {  	s23 =	simm.s32 $0x0;
	p0 =	seq.s32 s19, $0x7;
	s22 =	sshll.u32 s22, $0x2  }
.Ltmp12:
0xea: {  	s24 =	sadd.s32 s2, s22;
	s22 =	simm.s32 $0x6400;
	(pc) =	sbr.rel @p0 .LBB2_19-.Ltmp12, $4  }
0xeb: {  	[hbm4b:s24+s23] =	stream.linear.scatter [tilespmem:s22], [sflag:$0x3], $0xC800, $0x38;
	[tilespmem:$0x1F420] =	vst v63  }
0xec: {  	_ =	swait.ge [sflag:s10], $0xC800  }
0xed: {  	[sflag:s10] =	ssyncset.done $0x0  }
0xee: {  	[sflag:s10] =	ssyncadd.s32 $0xFFFF3800  }
0xef: {  	s24 =	sand.u32 $0x7FE00, s18  }
0xf0: {  	s25 =	sand.u32 $0x70, s23;
	s24 =	sshrl.u32 s24, $0x2  }
0xf1: {  	s24 =	sor.u32 s25, s24  }
0xf2: {  	v1 =	vld [tilespmem:s24+$0x0];
	_ =	sdelay $0x3  }
0xf3: {  	s30 =	sadd.s32 $0x40, s18  }
0xf4: {  	s31 =	sadd.s32 $0x10, s23;
	s28 =	sand.u32 $0x7FE00, s30  }
0xf5: {  	s26 =	sand.u32 $0x70, s31;
	s28 =	sshrl.u32 s28, $0x2  }
0xf6: {  	s23 =	sadd.s32 $0x40, s30;
	s30 =	sor.u32 s26, s28  }
0xf7: {  	[tilespmem:s22], [sflag:$0x1] =	stream.indirect_vreg.gather [hbm4b:s4+s3], $0x20, v1, vm0, $0xb8;
	[tilespmem:$0x1F420] =	vst v63  }
0xf8: {  	v1 =	vld [tilespmem:s30+$0x0];
	_ =	sdelay $0x4  }
0xf9: {  	s29 =	sadd.s32 $0x10, s31;
	s31 =	sand.u32 $0x7FE00, s23  }
0xfa: {  	s25 =	sand.u32 $0x70, s29;
	s26 =	sshrl.u32 s31, $0x2;
	s24 =	sadd.s32 $0x10, s29  }
.LBB2_17:
0xfb: {  	p0 =	sne.s32 s24, $0x630;
	s25 =	sor.u32 s25, s26;
	s22 =	sadd.s32 $0x200, s22  }
0xfc: {  	[tilespmem:s22], [sflag:$0x1] =	stream.indirect_vreg.gather [hbm4b:s4+s3], $0x20, v1, vm0, $0xb8;
	[tilespmem:$0x1F420] =	vst v63  }
0xfd: {  	v1 =	vld [tilespmem:s25+$0x0];
	_ =	sdelay $0x1  }
.Ltmp13:
0xfe: {  	(pc) =	sbr.rel @p0 .LBB2_17-.Ltmp13, $4  }
0xff: {  	_ = 	snop  }
0x100: {  	s23 =	sadd.s32 $0x40, s23  }
0x101: {  	s26 =	sand.u32 $0x7FE00, s23  }
0x102: {  	s25 =	sand.u32 $0x70, s24;
	s26 =	sshrl.u32 s26, $0x2;
	s24 =	sadd.s32 $0x10, s24  }
0x103: {  	_ =	sdelay $0x2  }
0x104: {  	s23 =	sor.u32 s25, s26;
	s22 =	sadd.s32 $0x200, s22  }
0x105: {  	[tilespmem:s22], [sflag:$0x1] =	stream.indirect_vreg.gather [hbm4b:s4+s3], $0x20, v1, vm0, $0xb8;
	[tilespmem:$0x1F420] =	vst v63  }
0x106: {  	v1 =	vld [tilespmem:s23+$0x0];
	_ =	sdelay $0x6  }
0x107: {  	s22 =	sadd.s32 $0x200, s22  }
0x108: {  	[tilespmem:s22], [sflag:$0x1] =	stream.indirect_vreg.gather [hbm4b:s4+s3], $0x20, v1, vm0, $0xb8;
	[tilespmem:$0x1F420] =	vst v63  }
.LBB2_19:
0x109: {  	s22 =	sadd.s32 $0x0, s17  }
0x10a: {  	s22 =	sand.u32 $0x70, s22  }
0x10b: {  	s23 =	sor.u32 s22, s21  }
0x10c: {  	v2 =	vld [tilespmem:s23+$0x0]  }
0x10d: {  	v1 =	vimm.s32 $0x0;
	s22 =	simm.s32 $0x10;
	s23 =	smov.u32 s16  }
.LBB2_20:
0x10e: {  	s24 =	sadd.s32 s22, s17;
	s23 =	sadd.s32 $0x40, s23;
	p0 =	sne.s32 s22, $0x630  }
.Ltmp14:
0x10f: {  	s22 =	sadd.s32 $0x10, s22;
	s25 =	sand.u32 $0x7FFFFE00, s23;
	(pc) =	sbr.rel @p0 .LBB2_20-.Ltmp14, $4  }
0x110: {  	s24 =	sand.u32 $0x70, s24;
	s25 =	sshrl.u32 s25, $0x2  }
0x111: {  	s24 =	sor.u32 s24, s25;
	vm1 =	veq.s32 v2, $0x0  }
0x112: {  	v2 =	vld [tilespmem:s24+$0x0];
	v3 =	vsel vm1, $0x1, v0  }
0x113: {  	v1 =	vor.u32 v3, v1  }
0x114: {  	_ =	sdelay $0x2  }
0x115: {  	vm1 =	veq.s32 v2, $0x0  }
0x116: {  	v2 =	vsel vm1, $0x1, v0  }
0x117: {  	[tilespmem:$0x1F410] =	vst v0;
	v1 =	vor.u32 v2, v1  }
0x118: {  	[tilespmem:$0x1F400] =	vst v1  }
0x119: {  	v2 =	vld [tilespmem:$0x1F408];
	_ =	sdelay $0x4  }
0x11a: {  	v1 =	vor.u32 v1, v2  }
0x11b: {  	[tilespmem:$0x1F400] =	vst v1  }
0x11c: {  	v2 =	vld [tilespmem:$0x1F404];
	_ =	sdelay $0x4  }
0x11d: {  	v1 =	vor.u32 v1, v2  }
0x11e: {  	[tilespmem:$0x1F400] =	vst v1  }
0x11f: {  	v2 =	vld [tilespmem:$0x1F402];
	_ =	sdelay $0x4  }
0x120: {  	v1 =	vor.u32 v1, v2  }
0x121: {  	[tilespmem:$0x1F400] =	vst v1  }
0x122: {  	v2 =	vld [tilespmem:$0x1F401];
	_ =	sdelay $0x4  }
0x123: {  	v1 =	vor.u32 v1, v2  }
0x124: {  	(v2sf) =	vpush v1, $0x0;
	_ =	sdelay $0xe  }
0x125: {  	s22 =	spop (v2sf)  }
0x126: {  	p0 =	slt.s32 s22, $0x1  }
.Ltmp15:
0x127: {  	_ = 	snop;
	(pc) =	sbr.rel @p0 .LBB2_25-.Ltmp15, $4  }
0x128: {  	[tilespmem:$0x1F400] =	vst v1  }
0x129: {  	_ =	swait.ge [sflag:s11], $0xC800  }
0x12a: {  	[sflag:s11] =	ssyncset.done $0x0  }
0x12b: {  	[sflag:s11] =	ssyncadd.s32 $0xFFFF3800  }
0x12c: {  	s22 =	sadd.s32 $0x0, s17  }
0x12d: {  	s22 =	sand.u32 $0x70, s22  }
0x12e: {  	s21 =	sor.u32 s22, s21  }
0x12f: {  	v1 =	vld [tilespmem:s21+$0x0];
	_ =	sdelay $0x4  }
0x130: {  	(v2sf) =	vpush v1, $0x0;
	_ =	sdelay $0x1  }
0x131: {  	(v2sf) =	vpush v1, $0x1;
	_ =	sdelay $0x1  }
0x132: {  	(v2sf) =	vpush v1, $0x2;
	_ =	sdelay $0x1  }
0x133: {  	(v2sf) =	vpush v1, $0x3;
	_ =	sdelay $0x1  }
0x134: {  	(v2sf) =	vpush v1, $0x4;
	_ =	sdelay $0x1  }
0x135: {  	(v2sf) =	vpush v1, $0x5;
	_ =	sdelay $0x1  }
0x136: {  	(v2sf) =	vpush v1, $0x6;
	_ =	sdelay $0x1  }
0x137: {  	(v2sf) =	vpush v1, $0x7  }
0x138: {  	s23 =	spop (v2sf)  }
0x139: {  	(v2sf) =	vpush v1, $0x8;
	p0 =	sne.s32 s23, $0x0  }
0x13a: {  	s21 =	simm.s32 $0x12D00;
	s24 =	spop (v2sf);
	v2 =	vimm.f32 @!p0 $0.0e+00  }
0x13b: {  	(v2sf) =	vpush v1, $0x9;
	p1 =	sne.s32 s24, $0x0;
	[tilespmem:s21+$0xFFFFFF00] =	vst @!p0 v2  }
0x13c: {  	s25 =	spop (v2sf);
	v3 =	vimm.f32 @!p1 $0.0e+00;
	[tilespmem:s21+$0xFFFFFF10] =	vst @!p0 v2  }
0x13d: {  	(v2sf) =	vpush v1, $0xA;
	p0 =	sne.s32 s25, $0x0;
	[tilespmem:s21+$0xFFFFFF20] =	vst @!p1 v3  }
0x13e: {  	s26 =	spop (v2sf);
	v2 =	vimm.f32 @!p0 $0.0e+00;
	[tilespmem:s21+$0xFFFFFF30] =	vst @!p1 v3  }
0x13f: {  	(v2sf) =	vpush v1, $0xB;
	p1 =	sne.s32 s26, $0x0;
	[tilespmem:s21+$0xFFFFFF40] =	vst @!p0 v2  }
0x140: {  	s28 =	spop (v2sf);
	v3 =	vimm.f32 @!p1 $0.0e+00;
	[tilespmem:s21+$0xFFFFFF50] =	vst @!p0 v2  }
0x141: {  	(v2sf) =	vpush v1, $0xC;
	p0 =	sne.s32 s28, $0x0;
	[tilespmem:s21+$0xFFFFFF60] =	vst @!p1 v3  }
0x142: {  	s29 =	spop (v2sf);
	v2 =	vimm.f32 @!p0 $0.0e+00;
	[tilespmem:s21+$0xFFFFFF70] =	vst @!p1 v3  }
0x143: {  	(v2sf) =	vpush v1, $0xD;
	p1 =	sne.s32 s29, $0x0;
	[tilespmem:s21+$0xFFFFFF80] =	vst @!p0 v2  }
0x144: {  	s30 =	spop (v2sf);
	v3 =	vimm.f32 @!p1 $0.0e+00;
	[tilespmem:s21+$0xFFFFFF90] =	vst @!p0 v2  }
0x145: {  	(v2sf) =	vpush v1, $0xE;
	p0 =	sne.s32 s30, $0x0;
	[tilespmem:s21+$0xFFFFFFA0] =	vst @!p1 v3  }
0x146: {  	(v2sf) =	vpush v1, $0xF;
	s31 =	spop (v2sf);
	v1 =	vimm.f32 @!p0 $0.0e+00;
	[tilespmem:s21+$0xFFFFFFB0] =	vst @!p1 v3  }
0x147: {  	p1 =	sne.s32 s31, $0x0;
	[tilespmem:s21+$0xFFFFFFC0] =	vst @!p0 v1  }
0x148: {  	v2 =	vimm.f32 @!p1 $0.0e+00;
	[tilespmem:s21+$0xFFFFFFD0] =	vst @!p0 v1;
	s23 =	spop (v2sf)  }
0x149: {  	[tilespmem:s21+$0xFFFFFFE0] =	vst @!p1 v2;
	p0 =	sne.s32 s23, $0x0  }
0x14a: {  	[tilespmem:s21+$0xFFFFFFF0] =	vst @!p1 v2;
	s24 =	spop (v2sf);
	v1 =	vimm.f32 @!p0 $0.0e+00  }
0x14b: {  	p1 =	sne.s32 s24, $0x0;
	[tilespmem:s21+$0x0] =	vst @!p0 v1  }
0x14c: {  	s25 =	spop (v2sf);
	v2 =	vimm.f32 @!p1 $0.0e+00;
	[tilespmem:s21+$0x10] =	vst @!p0 v1  }
0x14d: {  	p0 =	sne.s32 s25, $0x0;
	[tilespmem:s21+$0x20] =	vst @!p1 v2  }
0x14e: {  	s26 =	spop (v2sf);
	v1 =	vimm.f32 @!p0 $0.0e+00;
	[tilespmem:s21+$0x30] =	vst @!p1 v2  }
0x14f: {  	p1 =	sne.s32 s26, $0x0;
	[tilespmem:s21+$0x40] =	vst @!p0 v1  }
0x150: {  	s28 =	spop (v2sf);
	v2 =	vimm.f32 @!p1 $0.0e+00;
	[tilespmem:s21+$0x50] =	vst @!p0 v1  }
0x151: {  	p0 =	sne.s32 s28, $0x0;
	[tilespmem:s21+$0x60] =	vst @!p1 v2  }
0x152: {  	s29 =	spop (v2sf);
	v1 =	vimm.f32 @!p0 $0.0e+00;
	[tilespmem:s21+$0x70] =	vst @!p1 v2  }
0x153: {  	p2 =	sne.s32 s29, $0x0;
	[tilespmem:s21+$0x80] =	vst @!p0 v1  }
0x154: {  	s30 =	spop (v2sf);
	v3 =	vimm.f32 @!p2 $0.0e+00;
	[tilespmem:s21+$0x90] =	vst @!p0 v1  }
0x155: {  	p1 =	sne.s32 s30, $0x0;
	s31 =	spop (v2sf);
	[tilespmem:s21+$0xA0] =	vst @!p2 v3  }
0x156: {  	v2 =	vimm.f32 @!p1 $0.0e+00;
	[tilespmem:s21+$0xB0] =	vst @!p2 v3;
	p2 =	sne.s32 s31, $0x0  }
0x157: {  	s22 =	simm.s32 $0x10;
	s23 =	sadd.s32 $0x40, s16;
	v1 =	vimm.f32 @!p2 $0.0e+00;
	[tilespmem:s21+$0xC0] =	vst @!p1 v2  }
.LBB2_23:
0x158: {  	s24 =	sadd.s32 s22, s17;
	s25 =	sand.u32 $0x7FFFFE00, s23;
	[tilespmem:s21+$0xD0] =	vst @!p1 v2  }
0x159: {  	[tilespmem:s21+$0xE0] =	vst @!p2 v1;
	s24 =	sand.u32 $0x70, s24;
	s25 =	sshrl.u32 s25, $0x2  }
0x15a: {  	[tilespmem:s21+$0xF0] =	vst @!p2 v1;
	s24 =	sor.u32 s24, s25  }
0x15b: {  	v1 =	vld [tilespmem:s24+$0x0];
	_ =	sdelay $0x4  }
0x15c: {  	(v2sf) =	vpush v1, $0x0;
	_ =	sdelay $0x1  }
0x15d: {  	(v2sf) =	vpush v1, $0x1;
	_ =	sdelay $0x1  }
0x15e: {  	(v2sf) =	vpush v1, $0x2  }
0x15f: {  	(v2sf) =	vpush v1, $0x3  }
0x160: {  	(v2sf) =	vpush v1, $0x4  }
0x161: {  	(v2sf) =	vpush v1, $0x5  }
0x162: {  	(v2sf) =	vpush v1, $0x6  }
0x163: {  	(v2sf) =	vpush v1, $0x7  }
0x164: {  	(v2sf) =	vpush v1, $0x8  }
0x165: {  	(v2sf) =	vpush v1, $0x9  }
0x166: {  	(v2sf) =	vpush v1, $0xA  }
0x167: {  	(v2sf) =	vpush v1, $0xB  }
0x168: {  	(v2sf) =	vpush v1, $0xC  }
0x169: {  	s22 =	sadd.s32 $0x10, s22;
	(v2sf) =	vpush v1, $0xD;
	s30 =	spop (v2sf)  }
0x16a: {  	p0 =	sne.s32 s22, $0x640;
	(v2sf) =	vpush v1, $0xE;
	p1 =	sne.s32 s30, $0x0  }
0x16b: {  	s21 =	sadd.s32 $0x200, s21;
	s26 =	simm.s32 @!p0 $0x0;
	(v2sf) =	vpush v1, $0xF;
	s31 =	spop (v2sf);
	v1 =	vimm.f32 @!p1 $0.0e+00  }
0x16c: {  	s26 =	simm.s32 @p0 $0x1;
	p0 =	sne.s32 s31, $0x0;
	[tilespmem:s21+$0xFFFFFF00] =	vst @!p1 v1  }
0x16d: {  	s25 =	spop (v2sf);
	v2 =	vimm.f32 @!p0 $0.0e+00;
	[tilespmem:s21+$0xFFFFFF10] =	vst @!p1 v1  }
0x16e: {  	p4 =	sne.s32 s25, $0x0;
	[tilespmem:s21+$0xFFFFFF20] =	vst @!p0 v2  }
0x16f: {  	[smem:$0x7F9] =	sst s26;
	s26 =	spop (v2sf);
	v1 =	vimm.f32 @!p4 $0.0e+00;
	[tilespmem:s21+$0xFFFFFF30] =	vst @!p0 v2  }
0x170: {  	p3 =	sne.s32 s26, $0x0;
	[tilespmem:s21+$0xFFFFFF40] =	vst @!p4 v1  }
0x171: {  	s28 =	spop (v2sf);
	v3 =	vimm.f32 @!p3 $0.0e+00;
	[tilespmem:s21+$0xFFFFFF50] =	vst @!p4 v1  }
0x172: {  	p1 =	sne.s32 s28, $0x0;
	s29 =	spop (v2sf);
	[tilespmem:s21+$0xFFFFFF60] =	vst @!p3 v3  }
0x173: {  	v2 =	vimm.f32 @!p1 $0.0e+00;
	s30 =	spop (v2sf);
	[tilespmem:s21+$0xFFFFFF70] =	vst @!p3 v3  }
0x174: {  	p0 =	sne.s32 s29, $0x0;
	s31 =	spop (v2sf);
	[tilespmem:s21+$0xFFFFFF80] =	vst @!p1 v2  }
0x175: {  	v4 =	vimm.f32 @!p0 $0.0e+00;
	[tilespmem:s21+$0xFFFFFF90] =	vst @!p1 v2;
	p4 =	sne.s32 s31, $0x0;
	s25 =	spop (v2sf)  }
0x176: {  	p2 =	sne.s32 s30, $0x0;
	[tilespmem:s21+$0xFFFFFFA0] =	vst @!p0 v4;
	s24 =	simm.s32 @!p4 $0x0;
	s26 =	spop (v2sf)  }
0x177: {  	v1 =	vimm.f32 @!p2 $0.0e+00;
	[tilespmem:s21+$0xFFFFFFB0] =	vst @!p0 v4;
	s24 =	simm.s32 @p4 $0x1;
	s28 =	spop (v2sf)  }
0x178: {  	v5 =	vimm.f32 @!p4 $0.0e+00;
	[tilespmem:s21+$0xFFFFFFC0] =	vst @!p2 v1;
	p4 =	sne.s32 s25, $0x0;
	p3 =	sne.s32 s26, $0x0;
	p6 =	sne.s32 s28, $0x0  }
0x179: {  	[tilespmem:s21+$0xFFFFFFD0] =	vst @!p2 v1;
	[smem:$0x7F6] =	sst s24;
	s24 =	simm.s32 @!p4 $0x0;
	s29 =	spop (v2sf);
	v7 =	vimm.f32 @!p6 $0.0e+00  }
0x17a: {  	s24 =	simm.s32 @p4 $0x1;
	p5 =	sne.s32 s29, $0x0;
	s28 =	sld [smem:$0x7F6];
	[tilespmem:s21+$0x40] =	vst @!p6 v7  }
0x17b: {  	[smem:$0x7F7] =	sst s24;
	s24 =	simm.s32 @!p3 $0x0;
	v8 =	vimm.f32 @!p5 $0.0e+00;
	[tilespmem:s21+$0x50] =	vst @!p6 v7  }
0x17c: {  	s24 =	simm.s32 @p3 $0x1;
	s29 =	sld [smem:$0x7F7];
	[tilespmem:s21+$0x60] =	vst @!p5 v8  }
0x17d: {  	s30 =	spop (v2sf);
	[tilespmem:s21+$0x70] =	vst @!p5 v8;
	[smem:$0x7F8] =	sst s24;
	p0 =	seq.s32 s28, $0x1  }
0x17e: {  	v3 =	vimm.f32 @!p4 $0.0e+00;
	p4 =	sne.s32 s30, $0x0;
	[tilespmem:s21+$0xFFFFFFE0] =	vst @!p0 v5;
	s30 =	sld [smem:$0x7F8]  }
0x17f: {  	s31 =	spop (v2sf);
	[tilespmem:s21+$0xFFFFFFF0] =	vst @!p0 v5;
	p0 =	seq.s32 s29, $0x1  }
0x180: {  	v6 =	vimm.f32 @!p3 $0.0e+00;
	p3 =	sne.s32 s31, $0x0;
	s31 =	sld [smem:$0x7F9];
	[tilespmem:s21+$0x0] =	vst @!p0 v3  }
0x181: {  	[tilespmem:s21+$0x10] =	vst @!p0 v3;
	p0 =	seq.s32 s30, $0x1  }
0x182: {  	[tilespmem:s21+$0x20] =	vst @!p0 v6  }
0x183: {  	v4 =	vimm.f32 @!p4 $0.0e+00;
	[tilespmem:s21+$0x30] =	vst @!p0 v6;
	p0 =	seq.s32 s31, $0x1  }
.Ltmp16:
0x184: {  	[tilespmem:s21+$0x80] =	vst @!p4 v4;
	(pc) =	sbr.rel @p0 .LBB2_23-.Ltmp16, $4  }
0x185: {  	s25 =	spop (v2sf);
	v9 =	vimm.f32 @!p3 $0.0e+00;
	[tilespmem:s21+$0x90] =	vst @!p4 v4  }
0x186: {  	p1 =	sne.s32 s25, $0x0;
	s26 =	spop (v2sf);
	[tilespmem:s21+$0xA0] =	vst @!p3 v9  }
0x187: {  	v2 =	vimm.f32 @!p1 $0.0e+00;
	p2 =	sne.s32 s26, $0x0;
	[tilespmem:s21+$0xB0] =	vst @!p3 v9  }
0x188: {  	s23 =	sadd.s32 $0x40, s23;
	v1 =	vimm.f32 @!p2 $0.0e+00;
	[tilespmem:s21+$0xC0] =	vst @!p1 v2  }
.Ltmp17:
0x189: {  	(pc) =	sbr.rel .LBB2_25-.Ltmp17, $4  }
0x18a: {  	_ = 	snop  }
0x18b: {  	[tilespmem:s21+$0xD0] =	vst @!p1 v2  }
0x18c: {  	[tilespmem:s21+$0xE0] =	vst @!p2 v1  }
0x18d: {  	[tilespmem:s21+$0xF0] =	vst @!p2 v1  }
.LBB2_7:
.Ltmp18:
0x18e: {  	(pc) =	sbr.rel .LBB2_11-.Ltmp18, $2  }
0x18f: {  	_ =	sdelay $0x2  }
0x190: {  	v2 =	vimm.s32 $0x0  }
.LBB2_9:
.Ltmp19:
0x191: {  	(pc) =	sbr.rel .LBB2_11-.Ltmp19, $2  }
0x192: {  	_ =	sdelay $0x2  }
0x193: {  	v2 =	vimm.s32 $0x0  }
.LBB2_27:
0x194: {  	_ =	sfence.sel $0x180000  }
0x195: {  	[bflag:$0x0] =	sbarrier.arrive $0xFFFF  }
0x196: {  	p0 =	sne.s32 s0, $0x0;
	_ =	strace $0x90000047  }
0x197: {  	s0 =	sadd.s32 @!p0 $0x100000, s1;
	[bflag:$0x2] =	sbarrier.arrive $0xFFFF  }
0x198: {  	[sflag:s0] =	ssyncadd.tile.s32 @!p0 $0x1;
	_ =	shalt  }
.Lfunc_end2:
_tile_overlayer_lowered:
.L_overlay_start_2:
0x199: {  	(tag) =	ssettag $0x2  }
0x19a: {  	s0 =	rddreg [dreg:$0x0];
	s2 =	stileid.u32  }
0x19b: {  	s1 =	rddreg [dreg:$0x1];
	p0 =	sne.s32 s2, $0x0  }
0x19c: {  	s3 =	rddreg [dreg:$0x2];
	[bflag:$0x3] =	sbarrier.arrive $0xFFFF;
	s2 =	simm.s32 @!p0 $0x1C05  }
0x19d: {  	[timem:s3], [sflag:s2] =	dma.local @!p0 [hbm:s0], s1  }
0x19e: {  	s0 =	simm.s32 @!p0 $0x5  }
0x19f: {  	_ =	swait.ge @!p0 [sflag:s0], s1  }
0x1a0: {  	s1 =	ssub.s32 @!p0 $0x0, s1;
	[sflag:s0] =	ssyncset.done @!p0 $0x0  }
0x1a1: {  	[sflag:s0] =	ssyncadd.s32 @!p0 s1  }
0x1a2: {  	[bflag:$0x3] =	sbarrier.arrive $0xFFFF  }
0x1a3: {  	_ =	shalt  }

// kernel: sparse-core-data-format-call.cloned.1.call-start
scs
called_computation_lowered:
.L_overlay_start_0:
0x0: {  	s2 =	sld [smem:$0x3FD9]  }
0x1: {  	s3 =	sld [smem:$0x3FFE];
	_ =	sdelay $0x1  }
0x2: {  	s1 =	srdreg.scid  }
0x3: {  	s0 =	sand.u32 $0x1, s1  }
0x4: {  	s18 =	sshll.u32 s0, $0xA;
	s2 =	sadd.s32 s3, s2  }
0x5: {  	s2 =	sadd.s32 s2, s18  }
0x6: {  	[smem:$0x3FC6] =	sst s2  }
0x7: {  	_ = 	snop  }
0x8: {  	s2 =	sld [smem:$0x3FD0];
	(tm) =	ssettm $0x1  }
0x9: {  	s19 =	sld [smem:$0x3FFB];
	_ =	sdelay $0x3  }
0xa: {  	_ =	strace s19  }
0xb: {  	s3 =	sld [smem:$0x3FFC];
	_ =	sdelay $0x3  }
0xc: {  	_ =	strace s3  }
0xd: {  	s3 =	sld [smem:$0x3FFD];
	_ =	sdelay $0x3  }
0xe: {  	_ =	strace s3  }
0xf: {  	_ =	strace $0x8FFFFFFF  }
0x10: {  	s20 =	sld [smem:$0x3FDB];
	_ =	sdelay $0x1  }
0x11: {  	s4 =	simm.s32 $_scs_section_size  }
0x12: {  	s5 =	simm.s32 $_size__tile_overlayer_lowered;
	s6 =	simm.s32 $_tile_overlayer_lowered  }
0x13: {  	s23 =	simm.s32 $0x1BFF;
	s22 =	sshll.u32 s6, $0x1;
	s3 =	sadd.s32 s4, s20  }
0x14: {  	s7 =	simm.s32 $0x0;
	s21 =	sshll.u32 s5, $0x1;
	s5 =	sadd.s32 s22, s3  }
0x15: {  	[timem:s7], [sflag:s23] =	dma.local [hbm:s5], s21  }
0x16: {  	_ =	swait.ge [sflag:s23], s21  }
0x17: {  	s4 =	ssub.s32 $0x0, s21;
	[sflag:s23] =	ssyncset.done $0x0  }
0x18: {  	[sflag:s23] =	ssyncadd.s32 s4;
	_ =	sdelay $0x1  }
0x19: {  	s24 =	simm.s32 $0x1B8B  }
0x1a: {  	_ =	swait.ge [sflag:s24], $0x1  }
0x1b: {  	[sflag:s24] =	ssyncset.done $0x0  }
0x1c: {  	s26 =	simm.s32 $0x1B8E;
	s25 =	sld [smem:$0x3FFE];
	[sflag:s24] =	ssyncadd.s32 $0xFFFFFFFF  }
0x1d: {  	s27 =	simm.s32 $execute0_lowered;
	[smem:$0x3FD2] =	sst s26  }
0x1e: {  	s5 =	sshll.u32 s27, $0x1;
	_ =	strace $0x80000049;
	[dreg:$0x1] =	wrdreg $0xFFFFFFFF  }
0x1f: {  	s28 =	simm.s32 $_size_execute0_lowered;
	s3 =	sadd.s32 s3, s5;
	[dreg:$0x0] =	wrdreg $0x0  }
0x20: {  	s5 =	sshll.u32 s28, $0x1;
	[dreg:$0x2] =	wrdreg s3  }
0x21: {  	[dreg:$0x3] =	wrdreg s5  }
0x22: {  	[dreg:$0x4] =	wrdreg $0xC0  }
0x23: {  	_ =	task [dreg:s7], $0x5FFFF  }
0x24: {  	[dreg:$0x1] =	wrdreg $0xFFFFFFFF  }
0x25: {  	[dreg:$0x0] =	wrdreg $0x60  }
0x26: {  	[dreg:$0x2] =	wrdreg s25  }
0x27: {  	[dreg:$0x3] =	wrdreg s2  }
0x28: {  	[dreg:$0x4] =	wrdreg $0x9  }
0x29: {  	_ =	task.clear_ibuf [dreg:s7], $0x5FFFF;
	_ =	strace $0x90000049  }
0x2a: {  	s29 =	simm.s32 $0x9;
	_ =	strace $0x8000004B  }
0x2b: {  	_ =	swait.ge [sflag:s29], $0x1  }
0x2c: {  	[sflag:s29] =	ssyncadd.s32 $0xFFFFFFFF  }
0x2d: {  	_ =	strace $0x9000004B  }
0x2e: {  	_ =	sfence  }
0x2f: {  	s30 =	sld [smem:$0x0];
	_ =	sdelay $0x2  }
0x30: {  	s31 =	sshll.u32 s1, $0xD;
	s1 =	sshrl.u32 s1, $0x2  }
0x31: {  	s3 =	sand.u32 $0x4000, s31;
	s1 =	sadd.s32 s1, s30  }
0x32: {  	s0 =	sor.u32 s3, s0;
	s1 =	sshll.u32 s1, $0x11  }
0x33: {  	s0 =	sor.u32 s1, s0  }
0x34: {  	s0 =	sadd.s32 $0x8F2B, s0  }
0x35: {  	[sflag:s0] =	ssyncadd.remote.s32 $0x1  }
0x36: {  	_ =	sfence.sel $0xFFFF  }
0x37: {  	[dreg:$0x0] =	wrdreg $0xFFFFFFFF;
	(pc) =	sbr.abs _section_cstart, $3  }
0x38: {  	[dreg:$0x1] =	wrdreg $0xFFFFFFFF  }
0x39: {  	_ =	task.clear_ibuf [dreg:s7], $0x2FFFF;
	_ =	strace $0x9FFFFFFF  }
0x3a: {  	(tm) =	ssettm $0x7FFFFFFF  }
0x3b: {  	_ =	shalt  }
tec
execute0_lowered:
.L_overlay_start_1:
0x0: {  	(tag) =	ssettag $0x1  }
0x1: {  	s0 =	srdreg.scid  }
0x2: {  	s1 =	sshll.u32 s0, $0x4  }
0x3: {  	s0 =	stileid.u32;
	s1 =	sand.u32 $0x10, s1  }
0x4: {  	s1 =	sor.u32 s0, s1  }
0x5: {  	s6 =	rddreg [dreg:$0x0];
	s4 =	simm.s32 $0x1;
	s2 =	sshll.u32 s1, $0x7  }
0x6: {  	s7 =	simm.s32 $0x2;
	s12 =	simm.s32 $0x0;
	s1 =	ssub.s32 $0x1000, s2  }
0x7: {  	s8 =	simm.s32 $0x8000;
	s13 =	simm.s32 $0x0;
	s3 =	sand.u32 $0xF80, s1  }
0x8: {  	s9 =	simm.s32 $0x0;
	s5 =	sshrl.u32 s1, $0xC;
	p0 =	sne.s32 s3, $0x0  }
.Ltmp0:
0x9: {  	s1 =	rddreg [dreg:$0x2];
	s4 =	simm.s32 @!p0 $0x0;
	(pc) =	sbr.rel .LBB1_1-.Ltmp0, $4  }
0xa: {  	s11 =	simm.s32 $0x0;
	s3 =	rddreg [dreg:$0x1];
	s5 =	sadd.s32 s4, s5  }
0xb: {  	_ =	strace $0x8000004A;
	s4 =	simm.s32 $0x1;
	s5 =	smul.u32 $0xC8, s5  }
0xc: {  	s6 =	sadd.s32 $0xA00, s6;
	s10 =	smov.u32 s2;
	[sflag:s4] =	ssyncpa.u1 $0x0  }
0xd: {  	p0 =	por $0x0, $0x0;
	[sflag:s7] =	ssyncpa.u1 $0x0;
	s7 =	sor.u32 $0x1, s5  }
.LBB1_4:
0xe: {  	s16 =	sshll.u32 s13, $0x3;
	s17 =	sand.u32 $0x78, s13  }
0xf: {  	s30 =	sand.u32 $0x3E00, s13;
	s12 =	sshll.u32 s12, $0xE;
	s16 =	sand.u32 $0xC00, s16  }
0x10: {  	s31 =	sand.u32 $0x7, s13;
	s16 =	sor.u32 s17, s16;
	s17 =	sadd.s32 s3, s30  }
0x11: {  	s13 =	sshll.u32 s31, $0x12;
	s16 =	sshrl.u32 s16, $0x3;
	s12 =	sadd.s32 s12, s17  }
0x12: {  	[tilespmem:s15+$0x0 ss:$0x81] =	vst.msk $0xffff, v0;
	s13 =	sor.u32 $0x400, s13;
	s12 =	sadd.s32 s16, s12  }
0x13: {  	[hbm4b:s12+s13] =	stream.strided.scatter [tilespmem:s14], [sflag:$0x2], $0x1000, s8, s13, $0x20;
	[tilespmem:$0x4040] =	vst v63  }
.LBB1_5:
0x14: {  	s14 =	sadd.s32 $0x1, s9  }
0x15: {  	s12 =	sadd.s32 $0x1000, s10;
	s16 =	smov.u32 s10;
	p2 =	sgt.s32 s14, $0xC7  }
0x16: {  	s16 =	smov.u32 @p2 s12  }
0x17: {  	s14 =	simm.s32 @p2 $0x0;
	p2 =	sgt.s32 s16, $0xFFF  }
0x18: {  	s16 =	smov.u32 @p2 s2;
	p2 =	sne.s32 s11, s7  }
.Ltmp1:
0x19: {  	p1 =	slt.u32 s11, $0x2;
	(pc) =	sbr.rel @!p2 .LBB1_6-.Ltmp1, $4  }
0x1a: {  	s15 =	simm.s32 @!p1 $0x2  }
0x1b: {  	s13 =	smov.u32 s10;
	p0 =	por !p0, !p0;
	_ =	swait.ge @!p1 [sflag:s15], $0x1000  }
0x1c: {  	s12 =	smov.u32 s9;
	[sflag:s15] =	ssyncset.done @!p1 $0x0;
	s9 =	smov.u32 s14  }
0x1d: {  	s11 =	sadd.s32 $0x1, s11;
	[sflag:s15] =	ssyncadd.s32 @!p1 $0xFFFFF000;
	s10 =	smov.u32 s16  }
.LBB1_1:
0x1e: {  	p1 =	sge.u32 s11, s5  }
0x1f: {  	s14 =	sand.u32 @!p1 $0x1FFFFFF, s9  }
0x20: {  	s15 =	smulhi.u32 @!p1 $0x147AE15, s14;
	_ =	sdelay $0x1  }
0x21: {  	s15 =	smul.u32 @!p1 $0xC8, s15  }
0x22: {  	s16 =	sxor.u32 @!p1 $0xFFFFFFFF, s11;
	s17 =	smul.u32 @!p1 $0xC80, s10  }
0x23: {  	s31 =	sadd.s32 $0xFFFFFFFF, s11;
	s16 =	sshll.u32 @!p1 s16, $0xC;
	s14 =	ssub.s32 @!p1 s14, s15  }
0x24: {  	s15 =	sand.u32 @!p1 $0x1000, s16;
	s16 =	sadd.s32 @!p1 s6, s17;
	s14 =	sshll.u32 @!p1 s14, $0x4  }
0x25: {  	s17 =	simm.s32 @!p1 $0x6400;
	s14 =	sadd.s32 @!p1 s14, s16;
	s16 =	simm.s32 @!p1 $0x20  }
0x26: {  	[tilespmem:s15], [sflag:$0x1] =	stream.strided.gather @!p1 [hbm4b:s14+s16], $0x1000, s17, s16, $0x38;
	[tilespmem:$0x4040] =	vst v63  }
0x27: {  	p1 =	sge.u32 s31, s5  }
.Ltmp2:
0x28: {  	_ = 	snop;
	(pc) =	sbr.rel @p1 .LBB1_5-.Ltmp2, $1  }
0x29: {  	_ =	sdelay $0x3  }
0x2a: {  	s14 =	simm.s32 $0x1  }
0x2b: {  	_ =	swait.ge [sflag:s4], $0x1000;
	s14 =	simm.s32 @!p0 $0x0  }
0x2c: {  	[sflag:s4] =	ssyncset.done $0x0;
	s15 =	sshll.u32 s14, $0xC  }
0x2d: {  	[sflag:s4] =	ssyncadd.s32 $0xFFFFF000;
	s18 =	sor.u32 $0x10, s15  }
0x2e: {  	s14 =	smul.u32 $0x4080, s14;
	v1 =	vld [tilespmem:s18+$0x0]  }
0x2f: {  	s30 =	sand.u32 $0x1, s11;
	v0 =	vld [tilespmem:s18+$0xFFFFFFF0]  }
0x30: {  	s15 =	smul.u32 $0x4080, s30;
	s14 =	sshrl.u32 s14, $0x2  }
0x31: {  	s16 =	sor.u32 $0x2000, s14  }
0x32: {  	s31 =	sshrl.u32 s15, $0x2;
	s15 =	sadd.s32 $0x0, s16  }
0x33: {  	s17 =	simm.s32 $0x4;
	s18 =	sadd.s32 $0x20, s18;
	s14 =	sor.u32 $0x2000, s31;
	[tilespmem:s15+$0x810 ss:$0x81] =	vst.msk $0xffff, v1  }
.LBB1_3:
0x34: {  	v1 =	vld [tilespmem:s18+$0x0];
	p1 =	sne.s32 s17, $0x1FC;
	[tilespmem:s15+$0x0 ss:$0x81] =	vst.msk $0xffff, v0;
	s15 =	smov.u32 s17;
	s17 =	sadd.s32 $0x4, s17  }
.Ltmp3:
0x35: {  	v0 =	vld [tilespmem:s18+$0xFFFFFFF0];
	(pc) =	sbr.rel @p1 .LBB1_3-.Ltmp3, $4  }
0x36: {  	_ = 	snop  }
0x37: {  	s15 =	sshra.s32 s15, $0x2  }
0x38: {  	s15 =	sadd.s32 s15, s16  }
0x39: {  	s18 =	sadd.s32 $0x20, s18;
	[tilespmem:s15+$0x810 ss:$0x81] =	vst.msk $0xffff, v1  }
.Ltmp4:
0x3a: {  	_ = 	snop;
	(pc) =	sbr.rel .LBB1_4-.Ltmp4, $1  }
0x3b: {  	_ =	sdelay $0x3  }
.LBB1_6:
0x3c: {  	_ =	sfence.sel $0x180000  }
0x3d: {  	s2 =	simm.s32 $0x1;
	[bflag:$0x0] =	sbarrier.arrive $0xFFFF  }
0x3e: {  	s31 =	simm.s32 $0x2;
	[sflag:s2] =	ssyncpa.u1 $0x1  }
0x3f: {  	[sflag:s31] =	ssyncpa.u1 $0x1  }
0x40: {  	p0 =	sne.s32 s0, $0x0;
	_ =	strace $0x9000004A  }
0x41: {  	s0 =	sadd.s32 @!p0 $0x100000, s1;
	[bflag:$0x2] =	sbarrier.arrive $0xFFFF  }
0x42: {  	[sflag:s0] =	ssyncadd.tile.s32 @!p0 $0x1;
	_ =	shalt  }
.Lfunc_end1:
_tile_overlayer_lowered:
.L_overlay_start_2:
0x43: {  	(tag) =	ssettag $0x2  }
0x44: {  	s0 =	rddreg [dreg:$0x0];
	s2 =	stileid.u32  }
0x45: {  	s1 =	rddreg [dreg:$0x1];
	p0 =	sne.s32 s2, $0x0  }
0x46: {  	s3 =	rddreg [dreg:$0x2];
	[bflag:$0x3] =	sbarrier.arrive $0xFFFF;
	s2 =	simm.s32 @!p0 $0x1C01  }
0x47: {  	[timem:s3], [sflag:s2] =	dma.local @!p0 [hbm:s0], s1  }
0x48: {  	s0 =	simm.s32 @!p0 $0x1  }
0x49: {  	_ =	swait.ge @!p0 [sflag:s0], s1  }
0x4a: {  	s1 =	ssub.s32 @!p0 $0x0, s1;
	[sflag:s0] =	ssyncset.done @!p0 $0x0  }
0x4b: {  	[sflag:s0] =	ssyncadd.s32 @!p0 s1  }
0x4c: {  	[bflag:$0x3] =	sbarrier.arrive $0xFFFF  }
0x4d: {  	_ =	shalt  }

</sc_bundles>
